<compile_context>
chip_gen: v7x
topology: tpu7x:2x2x1
jax: 0.10.2.dev20260603
libtpu: 0.0.44.dev20260713+nightly
codegen_flags: <defaults>
</compile_context>

<pallas_src>
import functools

import jax
import jax.numpy as jnp
from jax import lax
from jax.experimental import pallas as pl
from jax.experimental.pallas import tpu as pltpu
from jax.experimental.pallas import tpu_sc as plsc

BATCH = 16384
FEAT = 32
NC = 2
NS = 16
LANES = 16
NGROUPS = BATCH // LANES
CHUNK = 32768


def _body(idx_hbm, t0_hbm, t1_hbm, t2_hbm, t3_hbm, out_hbm,
          idx_v, acc, p0, p1, bx, by, sem_a, sem_x, sem_y):
    c = lax.axis_index("s") * NC + lax.axis_index("c")

    bufs = (bx, by)
    sems = (sem_x, sem_y)
    passes = [(t2_hbm, k, True) for k in range(2)]
    passes += [(t3_hbm, k, False) for k in range(8)]

    def start(i):
        tbl, k, _ = passes[i]
        return pltpu.async_copy(
            tbl.at[c, pl.ds(k * CHUNK, CHUNK)], bufs[i % 2], sems[i % 2])

    ci = pltpu.async_copy(idx_hbm, idx_v, sem_a)
    c0 = pltpu.async_copy(t0_hbm.at[c], p0, sem_a)
    c1 = pltpu.async_copy(t1_hbm.at[c], p1, sem_a)
    dmas = [start(0), start(1)]
    ci.wait()
    c0.wait()
    c1.wait()

    for i in range(10):
        _, k, is_lod2 = passes[i]
        buf = bufs[i % 2]
        dmas[i % 2].wait()

        @plsc.parallel_loop(0, BATCH, LANES, unroll=8)
        def _(q, buf=buf, k=k, is_lod2=is_lod2, first=(i == 0)):
            s = pl.ds(q, LANES)
            v = idx_v[s]
            key = lax.shift_right_logical(v, 15)
            if is_lod2:
                key = lax.bitwise_and(key, 1)
            hit = lax.eq(key, k)
            val = plsc.load_gather(
                buf, [lax.bitwise_and(v, CHUNK - 1)], mask=hit)
            tot = jnp.where(hit, val, 0.0)
            if first:
                a = plsc.load_gather(p0, [lax.bitwise_and(v, 4095)])
                b = plsc.load_gather(p1, [lax.bitwise_and(v, 16383)])
                acc[s] = (a + b) + tot
            else:
                plsc.addupdate(acc.at[s], tot)

        if i + 2 < 10:
            dmas[i % 2] = start(i + 2)

    pltpu.sync_copy(acc, out_hbm.at[c])


@jax.jit
def _octree_lookup(indices, cb0, cb1, cb2, cb3):
    ts = [cb.T for cb in (cb0, cb1, cb2, cb3)]
    mesh = plsc.VectorSubcoreMesh(core_axis_name="c", subcore_axis_name="s")
    f = functools.partial(
        pl.kernel,
        mesh=mesh,
        compiler_params=pltpu.CompilerParams(needs_layout_passes=False),
        out_type=jax.ShapeDtypeStruct((FEAT, BATCH), jnp.float32),
        scratch_types=[
            pltpu.VMEM((BATCH,), jnp.int32),
            pltpu.VMEM((BATCH,), jnp.float32),
            pltpu.VMEM((4096,), jnp.float32),
            pltpu.VMEM((16384,), jnp.float32),
            pltpu.VMEM((CHUNK,), jnp.float32),
            pltpu.VMEM((CHUNK,), jnp.float32),
            pltpu.SemaphoreType.DMA,
            pltpu.SemaphoreType.DMA,
            pltpu.SemaphoreType.DMA,
        ],
    )(_body)
    out_t = f(indices, *ts)
    return out_t.T


def kernel(indices, cb0, cb1, cb2, cb3):
    return _octree_lookup(indices.astype(jnp.int32), cb0, cb1, cb2, cb3)

# --- scband reference (transcript-rebuilt; emitter-appended) ---
"""Pipeline reference for scband-octree-77567109366493 (READ-ONLY COPY).

The authoritative reference and input builder live on the scoring server;
editing this copy changes nothing except your own understanding.
"""

import jax, jax.numpy as jnp
import numpy as np

BASE_LOD = 6
NUM_LOD = 4
FEAT_DIM = 32
FEATURE_STD = 0.01
LODS = [2 ** L for L in range(BASE_LOD, BASE_LOD + NUM_LOD)]  # [64, 128, 256, 512]
BATCH = 16384


def setup_inputs(seed: int = 0) -> dict:
    key = jax.random.key(seed)
    ks = jax.random.split(key, NUM_LOD + 1)
    inp = {}
    # query indices into the multi-LOD grid (flattened 2D grid cells)
    inp["indices"] = jax.random.randint(ks[0], (BATCH,), 0, LODS[-1] ** 2, dtype=jnp.int64)
    # learned codebook parameters: one feature grid per LOD, init N(0, feature_std)
    for i, L in enumerate(LODS):
        inp[f"cb{i}"] = jax.random.normal(ks[i + 1], (L * L, FEAT_DIM), dtype=jnp.float32) * FEATURE_STD
    return inp


def reference(indices, cb0, cb1, cb2, cb3):
    # Octree / multi-resolution feature-grid lookup: for each LOD, gather the
    # feature row for the query cell at that resolution and sum across LODs.
    cbs = [cb0, cb1, cb2, cb3]
    out = jnp.zeros((indices.shape[0], FEAT_DIM), dtype=jnp.float32)
    for L, cb in zip(LODS, cbs):
        idx = jnp.mod(indices, L * L)
        out = out + jnp.take(cb, idx, axis=0)
    return out

if __name__ == "__main__":
    import jax
    _d = setup_inputs()
    print(jax.jit(kernel)(*tuple(_d.values())))

</pallas_src>

<mosaic_0001>
#map = affine_map<(d0, d1) -> (0)>
#map1 = affine_map<(d0, d1) -> (0, 0)>
module attributes {stable_mosaic.version = 14 : i64} {
  func.func @_body(%arg0: i32, %arg1: i32, %arg2: memref<16384xi32, #tpu.memory_space<hbm>>, %arg3: memref<32x4096xf32, #tpu.memory_space<hbm>>, %arg4: memref<32x16384xf32, #tpu.memory_space<hbm>>, %arg5: memref<32x65536xf32, #tpu.memory_space<hbm>>, %arg6: memref<32x262144xf32, #tpu.memory_space<hbm>>, %arg7: memref<32x16384xf32, #tpu.memory_space<hbm>>, %arg8: memref<16384xi32, #tpu.memory_space<vmem>>, %arg9: memref<16384xf32, #tpu.memory_space<vmem>>, %arg10: memref<4096xf32, #tpu.memory_space<vmem>>, %arg11: memref<16384xf32, #tpu.memory_space<vmem>>, %arg12: memref<32768xf32, #tpu.memory_space<vmem>>, %arg13: memref<32768xf32, #tpu.memory_space<vmem>>, %arg14: memref<!tpu.dma_semaphore, #tpu.memory_space<semaphore_mem>>, %arg15: memref<!tpu.dma_semaphore, #tpu.memory_space<semaphore_mem>>, %arg16: memref<!tpu.dma_semaphore, #tpu.memory_space<semaphore_mem>>) attributes {dimension_semantics = [#tpu.dimension_semantics<core_parallel>, #tpu.dimension_semantics<subcore_parallel>], iteration_bounds = array<i64: 2, 16>, scalar_prefetch = 0 : i64, scratch_operands = 9 : i64, tpu.core_type = #tpu.core_type<sc_vector_subcore>, window_params = [{transform_indices = #map}, {transform_indices = #map1}, {transform_indices = #map1}, {transform_indices = #map1}, {transform_indices = #map1}, {transform_indices = #map1}]} {
    %mul3A = arith.constant 2 : i32
    %mul3A_0 = arith.muli %arg1, %mul3A : i32
    %add3A = arith.addi %mul3A_0, %arg0 : i32
    tpu.enqueue_dma source(%arg2 : memref<16384xi32, #tpu.memory_space<hbm>>) target(%arg8 : memref<16384xi32, #tpu.memory_space<vmem>>) target_semaphore(%arg14 : memref<!tpu.dma_semaphore, #tpu.memory_space<semaphore_mem>>)
    %dma_start3A = arith.constant 0 : i32
    %dma_start3A_1 = tpu.memref_slice %arg3[%add3A, %dma_start3A] : memref<32x4096xf32, #tpu.memory_space<hbm>> -> memref<1x4096xf32, #tpu.memory_space<hbm>>
    %dma_start3A_2 = tpu.memref_squeeze %dma_start3A_1 : memref<1x4096xf32, #tpu.memory_space<hbm>> -> memref<4096xf32, #tpu.memory_space<hbm>>
    %dma_start3A_3 = arith.constant 0 : i32
    %dma_start3A_4 = tpu.memref_slice %arg3[%add3A, %dma_start3A_3] : memref<32x4096xf32, #tpu.memory_space<hbm>> -> memref<1x4096xf32, #tpu.memory_space<hbm>>
    %dma_start3A_5 = tpu.memref_squeeze %dma_start3A_4 : memref<1x4096xf32, #tpu.memory_space<hbm>> -> memref<4096xf32, #tpu.memory_space<hbm>>
    tpu.enqueue_dma source(%dma_start3A_5 : memref<4096xf32, #tpu.memory_space<hbm>>) target(%arg10 : memref<4096xf32, #tpu.memory_space<vmem>>) target_semaphore(%arg14 : memref<!tpu.dma_semaphore, #tpu.memory_space<semaphore_mem>>)
    %dma_start3A_6 = arith.constant 0 : i32
    %dma_start3A_7 = tpu.memref_slice %arg4[%add3A, %dma_start3A_6] : memref<32x16384xf32, #tpu.memory_space<hbm>> -> memref<1x16384xf32, #tpu.memory_space<hbm>>
    %dma_start3A_8 = tpu.memref_squeeze %dma_start3A_7 : memref<1x16384xf32, #tpu.memory_space<hbm>> -> memref<16384xf32, #tpu.memory_space<hbm>>
    %dma_start3A_9 = arith.constant 0 : i32
    %dma_start3A_10 = tpu.memref_slice %arg4[%add3A, %dma_start3A_9] : memref<32x16384xf32, #tpu.memory_space<hbm>> -> memref<1x16384xf32, #tpu.memory_space<hbm>>
    %dma_start3A_11 = tpu.memref_squeeze %dma_start3A_10 : memref<1x16384xf32, #tpu.memory_space<hbm>> -> memref<16384xf32, #tpu.memory_space<hbm>>
    tpu.enqueue_dma source(%dma_start3A_11 : memref<16384xf32, #tpu.memory_space<hbm>>) target(%arg11 : memref<16384xf32, #tpu.memory_space<vmem>>) target_semaphore(%arg14 : memref<!tpu.dma_semaphore, #tpu.memory_space<semaphore_mem>>)
    %dma_start3A_12 = arith.constant 0 : i32
    %dma_start3A_13 = tpu.memref_slice %arg5[%add3A, %dma_start3A_12] : memref<32x65536xf32, #tpu.memory_space<hbm>> -> memref<1x32768xf32, #tpu.memory_space<hbm>>
    %dma_start3A_14 = tpu.memref_squeeze %dma_start3A_13 : memref<1x32768xf32, #tpu.memory_space<hbm>> -> memref<32768xf32, #tpu.memory_space<hbm>>
    %dma_start3A_15 = arith.constant 0 : i32
    %dma_start3A_16 = tpu.memref_slice %arg5[%add3A, %dma_start3A_15] : memref<32x65536xf32, #tpu.memory_space<hbm>> -> memref<1x32768xf32, #tpu.memory_space<hbm>>
    %dma_start3A_17 = tpu.memref_squeeze %dma_start3A_16 : memref<1x32768xf32, #tpu.memory_space<hbm>> -> memref<32768xf32, #tpu.memory_space<hbm>>
    tpu.enqueue_dma source(%dma_start3A_17 : memref<32768xf32, #tpu.memory_space<hbm>>) target(%arg12 : memref<32768xf32, #tpu.memory_space<vmem>>) target_semaphore(%arg15 : memref<!tpu.dma_semaphore, #tpu.memory_space<semaphore_mem>>)
    %dma_start3A_18 = arith.constant 32768 : i32
    %dma_start3A_19 = tpu.memref_slice %arg5[%add3A, %dma_start3A_18] : memref<32x65536xf32, #tpu.memory_space<hbm>> -> memref<1x32768xf32, #tpu.memory_space<hbm>>
    %dma_start3A_20 = tpu.memref_squeeze %dma_start3A_19 : memref<1x32768xf32, #tpu.memory_space<hbm>> -> memref<32768xf32, #tpu.memory_space<hbm>>
    %dma_start3A_21 = arith.constant 32768 : i32
    %dma_start3A_22 = tpu.memref_slice %arg5[%add3A, %dma_start3A_21] : memref<32x65536xf32, #tpu.memory_space<hbm>> -> memref<1x32768xf32, #tpu.memory_space<hbm>>
    %dma_start3A_23 = tpu.memref_squeeze %dma_start3A_22 : memref<1x32768xf32, #tpu.memory_space<hbm>> -> memref<32768xf32, #tpu.memory_space<hbm>>
    tpu.enqueue_dma source(%dma_start3A_23 : memref<32768xf32, #tpu.memory_space<hbm>>) target(%arg13 : memref<32768xf32, #tpu.memory_space<vmem>>) target_semaphore(%arg16 : memref<!tpu.dma_semaphore, #tpu.memory_space<semaphore_mem>>)
    tpu.wait_dma2 semaphore(%arg14 : memref<!tpu.dma_semaphore, #tpu.memory_space<semaphore_mem>>) src(%arg2 : memref<16384xi32, #tpu.memory_space<hbm>>) dst(%arg8 : memref<16384xi32, #tpu.memory_space<vmem>>)
    %dma_wait3A = arith.constant 0 : i32
    %dma_wait3A_24 = tpu.memref_slice %arg3[%add3A, %dma_wait3A] : memref<32x4096xf32, #tpu.memory_space<hbm>> -> memref<1x4096xf32, #tpu.memory_space<hbm>>
    %dma_wait3A_25 = tpu.memref_squeeze %dma_wait3A_24 : memref<1x4096xf32, #tpu.memory_space<hbm>> -> memref<4096xf32, #tpu.memory_space<hbm>>
    %dma_wait3A_26 = arith.constant 0 : i32
    %dma_wait3A_27 = tpu.memref_slice %arg3[%add3A, %dma_wait3A_26] : memref<32x4096xf32, #tpu.memory_space<hbm>> -> memref<1x4096xf32, #tpu.memory_space<hbm>>
    %dma_wait3A_28 = tpu.memref_squeeze %dma_wait3A_27 : memref<1x4096xf32, #tpu.memory_space<hbm>> -> memref<4096xf32, #tpu.memory_space<hbm>>
    tpu.wait_dma2 semaphore(%arg14 : memref<!tpu.dma_semaphore, #tpu.memory_space<semaphore_mem>>) src(%dma_wait3A_28 : memref<4096xf32, #tpu.memory_space<hbm>>) dst(%arg10 : memref<4096xf32, #tpu.memory_space<vmem>>)
    %dma_wait3A_29 = arith.constant 0 : i32
    %dma_wait3A_30 = tpu.memref_slice %arg4[%add3A, %dma_wait3A_29] : memref<32x16384xf32, #tpu.memory_space<hbm>> -> memref<1x16384xf32, #tpu.memory_space<hbm>>
    %dma_wait3A_31 = tpu.memref_squeeze %dma_wait3A_30 : memref<1x16384xf32, #tpu.memory_space<hbm>> -> memref<16384xf32, #tpu.memory_space<hbm>>
    %dma_wait3A_32 = arith.constant 0 : i32
    %dma_wait3A_33 = tpu.memref_slice %arg4[%add3A, %dma_wait3A_32] : memref<32x16384xf32, #tpu.memory_space<hbm>> -> memref<1x16384xf32, #tpu.memory_space<hbm>>
    %dma_wait3A_34 = tpu.memref_squeeze %dma_wait3A_33 : memref<1x16384xf32, #tpu.memory_space<hbm>> -> memref<16384xf32, #tpu.memory_space<hbm>>
    tpu.wait_dma2 semaphore(%arg14 : memref<!tpu.dma_semaphore, #tpu.memory_space<semaphore_mem>>) src(%dma_wait3A_34 : memref<16384xf32, #tpu.memory_space<hbm>>) dst(%arg11 : memref<16384xf32, #tpu.memory_space<vmem>>)
    %dma_wait3A_35 = arith.constant 0 : i32
    %dma_wait3A_36 = tpu.memref_slice %arg5[%add3A, %dma_wait3A_35] : memref<32x65536xf32, #tpu.memory_space<hbm>> -> memref<1x32768xf32, #tpu.memory_space<hbm>>
    %dma_wait3A_37 = tpu.memref_squeeze %dma_wait3A_36 : memref<1x32768xf32, #tpu.memory_space<hbm>> -> memref<32768xf32, #tpu.memory_space<hbm>>
    %dma_wait3A_38 = arith.constant 0 : i32
    %dma_wait3A_39 = tpu.memref_slice %arg5[%add3A, %dma_wait3A_38] : memref<32x65536xf32, #tpu.memory_space<hbm>> -> memref<1x32768xf32, #tpu.memory_space<hbm>>
    %dma_wait3A_40 = tpu.memref_squeeze %dma_wait3A_39 : memref<1x32768xf32, #tpu.memory_space<hbm>> -> memref<32768xf32, #tpu.memory_space<hbm>>
    tpu.wait_dma2 semaphore(%arg15 : memref<!tpu.dma_semaphore, #tpu.memory_space<semaphore_mem>>) src(%dma_wait3A_40 : memref<32768xf32, #tpu.memory_space<hbm>>) dst(%arg12 : memref<32768xf32, #tpu.memory_space<vmem>>)
    %parallel_loop3A = arith.constant 0 : i32
    %parallel_loop3A_41 = arith.constant 16384 : i32
    %parallel_loop3A_42 = arith.constant 16 : i32
    scf.for %parallel_loop3A_172 = %parallel_loop3A to %parallel_loop3A_41 step %parallel_loop3A_42  : i32 {
      %parallel_loop3A_173 = arith.index_cast %parallel_loop3A_172 : i32 to index
      %parallel_loop3A_174 = tpu.vector_load %arg8[%parallel_loop3A_173] {strides = array<i32>} : memref<16384xi32, #tpu.memory_space<vmem>>, vector<16xi32>,
      %parallel_loop3A_175 = arith.constant 15 : i32
      %parallel_loop3A_176 = vector.broadcast %parallel_loop3A_175 : i32 to vector<16xi32>
      %parallel_loop3A_177 = arith.shrui %parallel_loop3A_174, %parallel_loop3A_176 : vector<16xi32>
      %parallel_loop3A_178 = arith.constant 1 : i32
      %parallel_loop3A_179 = vector.broadcast %parallel_loop3A_178 : i32 to vector<16xi32>
      %parallel_loop3A_180 = arith.andi %parallel_loop3A_177, %parallel_loop3A_179 : vector<16xi32>
      %parallel_loop3A_181 = arith.constant 0 : i32
      %parallel_loop3A_182 = vector.broadcast %parallel_loop3A_181 : i32 to vector<16xi32>
      %parallel_loop3A_183 = arith.cmpi eq, %parallel_loop3A_180, %parallel_loop3A_182 : vector<16xi32>
      %parallel_loop3A_184 = arith.constant 32767 : i32
      %parallel_loop3A_185 = vector.broadcast %parallel_loop3A_184 : i32 to vector<16xi32>
      %parallel_loop3A_186 = arith.andi %parallel_loop3A_174, %parallel_loop3A_185 : vector<16xi32>
      %parallel_loop3A_187 = tpu.vector_load_idx %arg12[%parallel_loop3A_186] masked %parallel_loop3A_183 : memref<32768xf32, #tpu.memory_space<vmem>>[vector<16xi32>], vector<16xf32>, vector<16xi1>
      %parallel_loop3A_188 = arith.constant 0.000000e+00 : f32
      %parallel_loop3A_189 = vector.broadcast %parallel_loop3A_188 : f32 to vector<16xf32>
      %parallel_loop3A_190 = arith.select %parallel_loop3A_183, %parallel_loop3A_187, %parallel_loop3A_189 : vector<16xi1>, vector<16xf32>
      %parallel_loop3A_191 = arith.constant 4095 : i32
      %parallel_loop3A_192 = vector.broadcast %parallel_loop3A_191 : i32 to vector<16xi32>
      %parallel_loop3A_193 = arith.andi %parallel_loop3A_174, %parallel_loop3A_192 : vector<16xi32>
      %parallel_loop3A_194 = tpu.vector_load_idx %arg10[%parallel_loop3A_193] : memref<4096xf32, #tpu.memory_space<vmem>>[vector<16xi32>], vector<16xf32>,
      %parallel_loop3A_195 = arith.constant 16383 : i32
      %parallel_loop3A_196 = vector.broadcast %parallel_loop3A_195 : i32 to vector<16xi32>
      %parallel_loop3A_197 = arith.andi %parallel_loop3A_174, %parallel_loop3A_196 : vector<16xi32>
      %parallel_loop3A_198 = tpu.vector_load_idx %arg11[%parallel_loop3A_197] : memref<16384xf32, #tpu.memory_space<vmem>>[vector<16xi32>], vector<16xf32>,
      %parallel_loop3A_199 = arith.addf %parallel_loop3A_194, %parallel_loop3A_198 : vector<16xf32>
      %parallel_loop3A_200 = arith.addf %parallel_loop3A_199, %parallel_loop3A_190 : vector<16xf32>
      %parallel_loop3A_201 = arith.index_cast %parallel_loop3A_172 : i32 to index
      %parallel_loop3A_202 = tpu.vector_load %arg9[%parallel_loop3A_201] {strides = array<i32>} : memref<16384xf32, #tpu.memory_space<vmem>>, vector<16xf32>,
      tpu.vector_store %arg9[%parallel_loop3A_201], %parallel_loop3A_200 {strides = array<i32>} : memref<16384xf32, #tpu.memory_space<vmem>>, vector<16xf32>,
    } {sc.loop_unroll_factor = 8 : i64, sc.parallel_access}
    %dma_start3A_43 = arith.constant 0 : i32
    %dma_start3A_44 = tpu.memref_slice %arg6[%add3A, %dma_start3A_43] : memref<32x262144xf32, #tpu.memory_space<hbm>> -> memref<1x32768xf32, #tpu.memory_space<hbm>>
    %dma_start3A_45 = tpu.memref_squeeze %dma_start3A_44 : memref<1x32768xf32, #tpu.memory_space<hbm>> -> memref<32768xf32, #tpu.memory_space<hbm>>
    %dma_start3A_46 = arith.constant 0 : i32
    %dma_start3A_47 = tpu.memref_slice %arg6[%add3A, %dma_start3A_46] : memref<32x262144xf32, #tpu.memory_space<hbm>> -> memref<1x32768xf32, #tpu.memory_space<hbm>>
    %dma_start3A_48 = tpu.memref_squeeze %dma_start3A_47 : memref<1x32768xf32, #tpu.memory_space<hbm>> -> memref<32768xf32, #tpu.memory_space<hbm>>
    tpu.enqueue_dma source(%dma_start3A_48 : memref<32768xf32, #tpu.memory_space<hbm>>) target(%arg12 : memref<32768xf32, #tpu.memory_space<vmem>>) target_semaphore(%arg15 : memref<!tpu.dma_semaphore, #tpu.memory_space<semaphore_mem>>)
    %dma_wait3A_49 = arith.constant 32768 : i32
    %dma_wait3A_50 = tpu.memref_slice %arg5[%add3A, %dma_wait3A_49] : memref<32x65536xf32, #tpu.memory_space<hbm>> -> memref<1x32768xf32, #tpu.memory_space<hbm>>
    %dma_wait3A_51 = tpu.memref_squeeze %dma_wait3A_50 : memref<1x32768xf32, #tpu.memory_space<hbm>> -> memref<32768xf32, #tpu.memory_space<hbm>>
    %dma_wait3A_52 = arith.constant 32768 : i32
    %dma_wait3A_53 = tpu.memref_slice %arg5[%add3A, %dma_wait3A_52] : memref<32x65536xf32, #tpu.memory_space<hbm>> -> memref<1x32768xf32, #tpu.memory_space<hbm>>
    %dma_wait3A_54 = tpu.memref_squeeze %dma_wait3A_53 : memref<1x32768xf32, #tpu.memory_space<hbm>> -> memref<32768xf32, #tpu.memory_space<hbm>>
    tpu.wait_dma2 semaphore(%arg16 : memref<!tpu.dma_semaphore, #tpu.memory_space<semaphore_mem>>) src(%dma_wait3A_54 : memref<32768xf32, #tpu.memory_space<hbm>>) dst(%arg13 : memref<32768xf32, #tpu.memory_space<vmem>>)
    %parallel_loop3A_55 = arith.constant 0 : i32
    %parallel_loop3A_56 = arith.constant 16384 : i32
    %parallel_loop3A_57 = arith.constant 16 : i32
    scf.for %parallel_loop3A_172 = %parallel_loop3A_55 to %parallel_loop3A_56 step %parallel_loop3A_57  : i32 {
      %parallel_loop3A_173 = arith.index_cast %parallel_loop3A_172 : i32 to index
      %parallel_loop3A_174 = tpu.vector_load %arg8[%parallel_loop3A_173] {strides = array<i32>} : memref<16384xi32, #tpu.memory_space<vmem>>, vector<16xi32>,
      %parallel_loop3A_175 = arith.constant 15 : i32
      %parallel_loop3A_176 = vector.broadcast %parallel_loop3A_175 : i32 to vector<16xi32>
      %parallel_loop3A_177 = arith.shrui %parallel_loop3A_174, %parallel_loop3A_176 : vector<16xi32>
      %parallel_loop3A_178 = arith.constant 1 : i32
      %parallel_loop3A_179 = vector.broadcast %parallel_loop3A_178 : i32 to vector<16xi32>
      %parallel_loop3A_180 = arith.andi %parallel_loop3A_177, %parallel_loop3A_179 : vector<16xi32>
      %parallel_loop3A_181 = arith.constant 1 : i32
      %parallel_loop3A_182 = vector.broadcast %parallel_loop3A_181 : i32 to vector<16xi32>
      %parallel_loop3A_183 = arith.cmpi eq, %parallel_loop3A_180, %parallel_loop3A_182 : vector<16xi32>
      %parallel_loop3A_184 = arith.constant 32767 : i32
      %parallel_loop3A_185 = vector.broadcast %parallel_loop3A_184 : i32 to vector<16xi32>
      %parallel_loop3A_186 = arith.andi %parallel_loop3A_174, %parallel_loop3A_185 : vector<16xi32>
      %parallel_loop3A_187 = tpu.vector_load_idx %arg13[%parallel_loop3A_186] masked %parallel_loop3A_183 : memref<32768xf32, #tpu.memory_space<vmem>>[vector<16xi32>], vector<16xf32>, vector<16xi1>
      %parallel_loop3A_188 = arith.constant 0.000000e+00 : f32
      %parallel_loop3A_189 = vector.broadcast %parallel_loop3A_188 : f32 to vector<16xf32>
      %parallel_loop3A_190 = arith.select %parallel_loop3A_183, %parallel_loop3A_187, %parallel_loop3A_189 : vector<16xi1>, vector<16xf32>
      %parallel_loop3A_191 = arith.index_cast %parallel_loop3A_172 : i32 to index
      %parallel_loop3A_192 = tpu.vector_load %arg9[%parallel_loop3A_191] {strides = array<i32>} : memref<16384xf32, #tpu.memory_space<vmem>>, vector<16xf32>,
      tpu.vector_store %arg9[%parallel_loop3A_191], %parallel_loop3A_190 {add = true, strides = array<i32>} : memref<16384xf32, #tpu.memory_space<vmem>>, vector<16xf32>,
    } {sc.loop_unroll_factor = 8 : i64, sc.parallel_access}
    %dma_start3A_58 = arith.constant 32768 : i32
    %dma_start3A_59 = tpu.memref_slice %arg6[%add3A, %dma_start3A_58] : memref<32x262144xf32, #tpu.memory_space<hbm>> -> memref<1x32768xf32, #tpu.memory_space<hbm>>
    %dma_start3A_60 = tpu.memref_squeeze %dma_start3A_59 : memref<1x32768xf32, #tpu.memory_space<hbm>> -> memref<32768xf32, #tpu.memory_space<hbm>>
    %dma_start3A_61 = arith.constant 32768 : i32
    %dma_start3A_62 = tpu.memref_slice %arg6[%add3A, %dma_start3A_61] : memref<32x262144xf32, #tpu.memory_space<hbm>> -> memref<1x32768xf32, #tpu.memory_space<hbm>>
    %dma_start3A_63 = tpu.memref_squeeze %dma_start3A_62 : memref<1x32768xf32, #tpu.memory_space<hbm>> -> memref<32768xf32, #tpu.memory_space<hbm>>
    tpu.enqueue_dma source(%dma_start3A_63 : memref<32768xf32, #tpu.memory_space<hbm>>) target(%arg13 : memref<32768xf32, #tpu.memory_space<vmem>>) target_semaphore(%arg16 : memref<!tpu.dma_semaphore, #tpu.memory_space<semaphore_mem>>)
    %dma_wait3A_64 = arith.constant 0 : i32
    %dma_wait3A_65 = tpu.memref_slice %arg6[%add3A, %dma_wait3A_64] : memref<32x262144xf32, #tpu.memory_space<hbm>> -> memref<1x32768xf32, #tpu.memory_space<hbm>>
    %dma_wait3A_66 = tpu.memref_squeeze %dma_wait3A_65 : memref<1x32768xf32, #tpu.memory_space<hbm>> -> memref<32768xf32, #tpu.memory_space<hbm>>
    %dma_wait3A_67 = arith.constant 0 : i32
    %dma_wait3A_68 = tpu.memref_slice %arg6[%add3A, %dma_wait3A_67] : memref<32x262144xf32, #tpu.memory_space<hbm>> -> memref<1x32768xf32, #tpu.memory_space<hbm>>
    %dma_wait3A_69 = tpu.memref_squeeze %dma_wait3A_68 : memref<1x32768xf32, #tpu.memory_space<hbm>> -> memref<32768xf32, #tpu.memory_space<hbm>>
    tpu.wait_dma2 semaphore(%arg15 : memref<!tpu.dma_semaphore, #tpu.memory_space<semaphore_mem>>) src(%dma_wait3A_69 : memref<32768xf32, #tpu.memory_space<hbm>>) dst(%arg12 : memref<32768xf32, #tpu.memory_space<vmem>>)
    %parallel_loop3A_70 = arith.constant 0 : i32
    %parallel_loop3A_71 = arith.constant 16384 : i32
    %parallel_loop3A_72 = arith.constant 16 : i32
    scf.for %parallel_loop3A_172 = %parallel_loop3A_70 to %parallel_loop3A_71 step %parallel_loop3A_72  : i32 {
      %parallel_loop3A_173 = arith.index_cast %parallel_loop3A_172 : i32 to index
      %parallel_loop3A_174 = tpu.vector_load %arg8[%parallel_loop3A_173] {strides = array<i32>} : memref<16384xi32, #tpu.memory_space<vmem>>, vector<16xi32>,
      %parallel_loop3A_175 = arith.constant 15 : i32
      %parallel_loop3A_176 = vector.broadcast %parallel_loop3A_175 : i32 to vector<16xi32>
      %parallel_loop3A_177 = arith.shrui %parallel_loop3A_174, %parallel_loop3A_176 : vector<16xi32>
      %parallel_loop3A_178 = arith.constant 0 : i32
      %parallel_loop3A_179 = vector.broadcast %parallel_loop3A_178 : i32 to vector<16xi32>
      %parallel_loop3A_180 = arith.cmpi eq, %parallel_loop3A_177, %parallel_loop3A_179 : vector<16xi32>
      %parallel_loop3A_181 = arith.constant 32767 : i32
      %parallel_loop3A_182 = vector.broadcast %parallel_loop3A_181 : i32 to vector<16xi32>
      %parallel_loop3A_183 = arith.andi %parallel_loop3A_174, %parallel_loop3A_182 : vector<16xi32>
      %parallel_loop3A_184 = tpu.vector_load_idx %arg12[%parallel_loop3A_183] masked %parallel_loop3A_180 : memref<32768xf32, #tpu.memory_space<vmem>>[vector<16xi32>], vector<16xf32>, vector<16xi1>
      %parallel_loop3A_185 = arith.constant 0.000000e+00 : f32
      %parallel_loop3A_186 = vector.broadcast %parallel_loop3A_185 : f32 to vector<16xf32>
      %parallel_loop3A_187 = arith.select %parallel_loop3A_180, %parallel_loop3A_184, %parallel_loop3A_186 : vector<16xi1>, vector<16xf32>
      %parallel_loop3A_188 = arith.index_cast %parallel_loop3A_172 : i32 to index
      %parallel_loop3A_189 = tpu.vector_load %arg9[%parallel_loop3A_188] {strides = array<i32>} : memref<16384xf32, #tpu.memory_space<vmem>>, vector<16xf32>,
      tpu.vector_store %arg9[%parallel_loop3A_188], %parallel_loop3A_187 {add = true, strides = array<i32>} : memref<16384xf32, #tpu.memory_space<vmem>>, vector<16xf32>,
    } {sc.loop_unroll_factor = 8 : i64, sc.parallel_access}
    %dma_start3A_73 = arith.constant 65536 : i32
    %dma_start3A_74 = tpu.memref_slice %arg6[%add3A, %dma_start3A_73] : memref<32x262144xf32, #tpu.memory_space<hbm>> -> memref<1x32768xf32, #tpu.memory_space<hbm>>
    %dma_start3A_75 = tpu.memref_squeeze %dma_start3A_74 : memref<1x32768xf32, #tpu.memory_space<hbm>> -> memref<32768xf32, #tpu.memory_space<hbm>>
    %dma_start3A_76 = arith.constant 65536 : i32
    %dma_start3A_77 = tpu.memref_slice %arg6[%add3A, %dma_start3A_76] : memref<32x262144xf32, #tpu.memory_space<hbm>> -> memref<1x32768xf32, #tpu.memory_space<hbm>>
    %dma_start3A_78 = tpu.memref_squeeze %dma_start3A_77 : memref<1x32768xf32, #tpu.memory_space<hbm>> -> memref<32768xf32, #tpu.memory_space<hbm>>
    tpu.enqueue_dma source(%dma_start3A_78 : memref<32768xf32, #tpu.memory_space<hbm>>) target(%arg12 : memref<32768xf32, #tpu.memory_space<vmem>>) target_semaphore(%arg15 : memref<!tpu.dma_semaphore, #tpu.memory_space<semaphore_mem>>)
    %dma_wait3A_79 = arith.constant 32768 : i32
    %dma_wait3A_80 = tpu.memref_slice %arg6[%add3A, %dma_wait3A_79] : memref<32x262144xf32, #tpu.memory_space<hbm>> -> memref<1x32768xf32, #tpu.memory_space<hbm>>
    %dma_wait3A_81 = tpu.memref_squeeze %dma_wait3A_80 : memref<1x32768xf32, #tpu.memory_space<hbm>> -> memref<32768xf32, #tpu.memory_space<hbm>>
    %dma_wait3A_82 = arith.constant 32768 : i32
    %dma_wait3A_83 = tpu.memref_slice %arg6[%add3A, %dma_wait3A_82] : memref<32x262144xf32, #tpu.memory_space<hbm>> -> memref<1x32768xf32, #tpu.memory_space<hbm>>
    %dma_wait3A_84 = tpu.memref_squeeze %dma_wait3A_83 : memref<1x32768xf32, #tpu.memory_space<hbm>> -> memref<32768xf32, #tpu.memory_space<hbm>>
    tpu.wait_dma2 semaphore(%arg16 : memref<!tpu.dma_semaphore, #tpu.memory_space<semaphore_mem>>) src(%dma_wait3A_84 : memref<32768xf32, #tpu.memory_space<hbm>>) dst(%arg13 : memref<32768xf32, #tpu.memory_space<vmem>>)
    %parallel_loop3A_85 = arith.constant 0 : i32
    %parallel_loop3A_86 = arith.constant 16384 : i32
    %parallel_loop3A_87 = arith.constant 16 : i32
    scf.for %parallel_loop3A_172 = %parallel_loop3A_85 to %parallel_loop3A_86 step %parallel_loop3A_87  : i32 {
      %parallel_loop3A_173 = arith.index_cast %parallel_loop3A_172 : i32 to index
      %parallel_loop3A_174 = tpu.vector_load %arg8[%parallel_loop3A_173] {strides = array<i32>} : memref<16384xi32, #tpu.memory_space<vmem>>, vector<16xi32>,
      %parallel_loop3A_175 = arith.constant 15 : i32
      %parallel_loop3A_176 = vector.broadcast %parallel_loop3A_175 : i32 to vector<16xi32>
      %parallel_loop3A_177 = arith.shrui %parallel_loop3A_174, %parallel_loop3A_176 : vector<16xi32>
      %parallel_loop3A_178 = arith.constant 1 : i32
      %parallel_loop3A_179 = vector.broadcast %parallel_loop3A_178 : i32 to vector<16xi32>
      %parallel_loop3A_180 = arith.cmpi eq, %parallel_loop3A_177, %parallel_loop3A_179 : vector<16xi32>
      %parallel_loop3A_181 = arith.constant 32767 : i32
      %parallel_loop3A_182 = vector.broadcast %parallel_loop3A_181 : i32 to vector<16xi32>
      %parallel_loop3A_183 = arith.andi %parallel_loop3A_174, %parallel_loop3A_182 : vector<16xi32>
      %parallel_loop3A_184 = tpu.vector_load_idx %arg13[%parallel_loop3A_183] masked %parallel_loop3A_180 : memref<32768xf32, #tpu.memory_space<vmem>>[vector<16xi32>], vector<16xf32>, vector<16xi1>
      %parallel_loop3A_185 = arith.constant 0.000000e+00 : f32
      %parallel_loop3A_186 = vector.broadcast %parallel_loop3A_185 : f32 to vector<16xf32>
      %parallel_loop3A_187 = arith.select %parallel_loop3A_180, %parallel_loop3A_184, %parallel_loop3A_186 : vector<16xi1>, vector<16xf32>
      %parallel_loop3A_188 = arith.index_cast %parallel_loop3A_172 : i32 to index
      %parallel_loop3A_189 = tpu.vector_load %arg9[%parallel_loop3A_188] {strides = array<i32>} : memref<16384xf32, #tpu.memory_space<vmem>>, vector<16xf32>,
      tpu.vector_store %arg9[%parallel_loop3A_188], %parallel_loop3A_187 {add = true, strides = array<i32>} : memref<16384xf32, #tpu.memory_space<vmem>>, vector<16xf32>,
    } {sc.loop_unroll_factor = 8 : i64, sc.parallel_access}
    %dma_start3A_88 = arith.constant 98304 : i32
    %dma_start3A_89 = tpu.memref_slice %arg6[%add3A, %dma_start3A_88] : memref<32x262144xf32, #tpu.memory_space<hbm>> -> memref<1x32768xf32, #tpu.memory_space<hbm>>
    %dma_start3A_90 = tpu.memref_squeeze %dma_start3A_89 : memref<1x32768xf32, #tpu.memory_space<hbm>> -> memref<32768xf32, #tpu.memory_space<hbm>>
    %dma_start3A_91 = arith.constant 98304 : i32
    %dma_start3A_92 = tpu.memref_slice %arg6[%add3A, %dma_start3A_91] : memref<32x262144xf32, #tpu.memory_space<hbm>> -> memref<1x32768xf32, #tpu.memory_space<hbm>>
    %dma_start3A_93 = tpu.memref_squeeze %dma_start3A_92 : memref<1x32768xf32, #tpu.memory_space<hbm>> -> memref<32768xf32, #tpu.memory_space<hbm>>
    tpu.enqueue_dma source(%dma_start3A_93 : memref<32768xf32, #tpu.memory_space<hbm>>) target(%arg13 : memref<32768xf32, #tpu.memory_space<vmem>>) target_semaphore(%arg16 : memref<!tpu.dma_semaphore, #tpu.memory_space<semaphore_mem>>)
    %dma_wait3A_94 = arith.constant 65536 : i32
    %dma_wait3A_95 = tpu.memref_slice %arg6[%add3A, %dma_wait3A_94] : memref<32x262144xf32, #tpu.memory_space<hbm>> -> memref<1x32768xf32, #tpu.memory_space<hbm>>
    %dma_wait3A_96 = tpu.memref_squeeze %dma_wait3A_95 : memref<1x32768xf32, #tpu.memory_space<hbm>> -> memref<32768xf32, #tpu.memory_space<hbm>>
    %dma_wait3A_97 = arith.constant 65536 : i32
    %dma_wait3A_98 = tpu.memref_slice %arg6[%add3A, %dma_wait3A_97] : memref<32x262144xf32, #tpu.memory_space<hbm>> -> memref<1x32768xf32, #tpu.memory_space<hbm>>
    %dma_wait3A_99 = tpu.memref_squeeze %dma_wait3A_98 : memref<1x32768xf32, #tpu.memory_space<hbm>> -> memref<32768xf32, #tpu.memory_space<hbm>>
    tpu.wait_dma2 semaphore(%arg15 : memref<!tpu.dma_semaphore, #tpu.memory_space<semaphore_mem>>) src(%dma_wait3A_99 : memref<32768xf32, #tpu.memory_space<hbm>>) dst(%arg12 : memref<32768xf32, #tpu.memory_space<vmem>>)
    %parallel_loop3A_100 = arith.constant 0 : i32
    %parallel_loop3A_101 = arith.constant 16384 : i32
    %parallel_loop3A_102 = arith.constant 16 : i32
    scf.for %parallel_loop3A_172 = %parallel_loop3A_100 to %parallel_loop3A_101 step %parallel_loop3A_102  : i32 {
      %parallel_loop3A_173 = arith.index_cast %parallel_loop3A_172 : i32 to index
      %parallel_loop3A_174 = tpu.vector_load %arg8[%parallel_loop3A_173] {strides = array<i32>} : memref<16384xi32, #tpu.memory_space<vmem>>, vector<16xi32>,
      %parallel_loop3A_175 = arith.constant 15 : i32
      %parallel_loop3A_176 = vector.broadcast %parallel_loop3A_175 : i32 to vector<16xi32>
      %parallel_loop3A_177 = arith.shrui %parallel_loop3A_174, %parallel_loop3A_176 : vector<16xi32>
      %parallel_loop3A_178 = arith.constant 2 : i32
      %parallel_loop3A_179 = vector.broadcast %parallel_loop3A_178 : i32 to vector<16xi32>
      %parallel_loop3A_180 = arith.cmpi eq, %parallel_loop3A_177, %parallel_loop3A_179 : vector<16xi32>
      %parallel_loop3A_181 = arith.constant 32767 : i32
      %parallel_loop3A_182 = vector.broadcast %parallel_loop3A_181 : i32 to vector<16xi32>
      %parallel_loop3A_183 = arith.andi %parallel_loop3A_174, %parallel_loop3A_182 : vector<16xi32>
      %parallel_loop3A_184 = tpu.vector_load_idx %arg12[%parallel_loop3A_183] masked %parallel_loop3A_180 : memref<32768xf32, #tpu.memory_space<vmem>>[vector<16xi32>], vector<16xf32>, vector<16xi1>
      %parallel_loop3A_185 = arith.constant 0.000000e+00 : f32
      %parallel_loop3A_186 = vector.broadcast %parallel_loop3A_185 : f32 to vector<16xf32>
      %parallel_loop3A_187 = arith.select %parallel_loop3A_180, %parallel_loop3A_184, %parallel_loop3A_186 : vector<16xi1>, vector<16xf32>
      %parallel_loop3A_188 = arith.index_cast %parallel_loop3A_172 : i32 to index
      %parallel_loop3A_189 = tpu.vector_load %arg9[%parallel_loop3A_188] {strides = array<i32>} : memref<16384xf32, #tpu.memory_space<vmem>>, vector<16xf32>,
      tpu.vector_store %arg9[%parallel_loop3A_188], %parallel_loop3A_187 {add = true, strides = array<i32>} : memref<16384xf32, #tpu.memory_space<vmem>>, vector<16xf32>,
    } {sc.loop_unroll_factor = 8 : i64, sc.parallel_access}
    %dma_start3A_103 = arith.constant 131072 : i32
    %dma_start3A_104 = tpu.memref_slice %arg6[%add3A, %dma_start3A_103] : memref<32x262144xf32, #tpu.memory_space<hbm>> -> memref<1x32768xf32, #tpu.memory_space<hbm>>
    %dma_start3A_105 = tpu.memref_squeeze %dma_start3A_104 : memref<1x32768xf32, #tpu.memory_space<hbm>> -> memref<32768xf32, #tpu.memory_space<hbm>>
    %dma_start3A_106 = arith.constant 131072 : i32
    %dma_start3A_107 = tpu.memref_slice %arg6[%add3A, %dma_start3A_106] : memref<32x262144xf32, #tpu.memory_space<hbm>> -> memref<1x32768xf32, #tpu.memory_space<hbm>>
    %dma_start3A_108 = tpu.memref_squeeze %dma_start3A_107 : memref<1x32768xf32, #tpu.memory_space<hbm>> -> memref<32768xf32, #tpu.memory_space<hbm>>
    tpu.enqueue_dma source(%dma_start3A_108 : memref<32768xf32, #tpu.memory_space<hbm>>) target(%arg12 : memref<32768xf32, #tpu.memory_space<vmem>>) target_semaphore(%arg15 : memref<!tpu.dma_semaphore, #tpu.memory_space<semaphore_mem>>)
    %dma_wait3A_109 = arith.constant 98304 : i32
    %dma_wait3A_110 = tpu.memref_slice %arg6[%add3A, %dma_wait3A_109] : memref<32x262144xf32, #tpu.memory_space<hbm>> -> memref<1x32768xf32, #tpu.memory_space<hbm>>
    %dma_wait3A_111 = tpu.memref_squeeze %dma_wait3A_110 : memref<1x32768xf32, #tpu.memory_space<hbm>> -> memref<32768xf32, #tpu.memory_space<hbm>>
    %dma_wait3A_112 = arith.constant 98304 : i32
    %dma_wait3A_113 = tpu.memref_slice %arg6[%add3A, %dma_wait3A_112] : memref<32x262144xf32, #tpu.memory_space<hbm>> -> memref<1x32768xf32, #tpu.memory_space<hbm>>
    %dma_wait3A_114 = tpu.memref_squeeze %dma_wait3A_113 : memref<1x32768xf32, #tpu.memory_space<hbm>> -> memref<32768xf32, #tpu.memory_space<hbm>>
    tpu.wait_dma2 semaphore(%arg16 : memref<!tpu.dma_semaphore, #tpu.memory_space<semaphore_mem>>) src(%dma_wait3A_114 : memref<32768xf32, #tpu.memory_space<hbm>>) dst(%arg13 : memref<32768xf32, #tpu.memory_space<vmem>>)
    %parallel_loop3A_115 = arith.constant 0 : i32
    %parallel_loop3A_116 = arith.constant 16384 : i32
    %parallel_loop3A_117 = arith.constant 16 : i32
    scf.for %parallel_loop3A_172 = %parallel_loop3A_115 to %parallel_loop3A_116 step %parallel_loop3A_117  : i32 {
      %parallel_loop3A_173 = arith.index_cast %parallel_loop3A_172 : i32 to index
      %parallel_loop3A_174 = tpu.vector_load %arg8[%parallel_loop3A_173] {strides = array<i32>} : memref<16384xi32, #tpu.memory_space<vmem>>, vector<16xi32>,
      %parallel_loop3A_175 = arith.constant 15 : i32
      %parallel_loop3A_176 = vector.broadcast %parallel_loop3A_175 : i32 to vector<16xi32>
      %parallel_loop3A_177 = arith.shrui %parallel_loop3A_174, %parallel_loop3A_176 : vector<16xi32>
      %parallel_loop3A_178 = arith.constant 3 : i32
      %parallel_loop3A_179 = vector.broadcast %parallel_loop3A_178 : i32 to vector<16xi32>
      %parallel_loop3A_180 = arith.cmpi eq, %parallel_loop3A_177, %parallel_loop3A_179 : vector<16xi32>
      %parallel_loop3A_181 = arith.constant 32767 : i32
      %parallel_loop3A_182 = vector.broadcast %parallel_loop3A_181 : i32 to vector<16xi32>
      %parallel_loop3A_183 = arith.andi %parallel_loop3A_174, %parallel_loop3A_182 : vector<16xi32>
      %parallel_loop3A_184 = tpu.vector_load_idx %arg13[%parallel_loop3A_183] masked %parallel_loop3A_180 : memref<32768xf32, #tpu.memory_space<vmem>>[vector<16xi32>], vector<16xf32>, vector<16xi1>
      %parallel_loop3A_185 = arith.constant 0.000000e+00 : f32
      %parallel_loop3A_186 = vector.broadcast %parallel_loop3A_185 : f32 to vector<16xf32>
      %parallel_loop3A_187 = arith.select %parallel_loop3A_180, %parallel_loop3A_184, %parallel_loop3A_186 : vector<16xi1>, vector<16xf32>
      %parallel_loop3A_188 = arith.index_cast %parallel_loop3A_172 : i32 to index
      %parallel_loop3A_189 = tpu.vector_load %arg9[%parallel_loop3A_188] {strides = array<i32>} : memref<16384xf32, #tpu.memory_space<vmem>>, vector<16xf32>,
      tpu.vector_store %arg9[%parallel_loop3A_188], %parallel_loop3A_187 {add = true, strides = array<i32>} : memref<16384xf32, #tpu.memory_space<vmem>>, vector<16xf32>,
    } {sc.loop_unroll_factor = 8 : i64, sc.parallel_access}
    %dma_start3A_118 = arith.constant 163840 : i32
    %dma_start3A_119 = tpu.memref_slice %arg6[%add3A, %dma_start3A_118] : memref<32x262144xf32, #tpu.memory_space<hbm>> -> memref<1x32768xf32, #tpu.memory_space<hbm>>
    %dma_start3A_120 = tpu.memref_squeeze %dma_start3A_119 : memref<1x32768xf32, #tpu.memory_space<hbm>> -> memref<32768xf32, #tpu.memory_space<hbm>>
    %dma_start3A_121 = arith.constant 163840 : i32
    %dma_start3A_122 = tpu.memref_slice %arg6[%add3A, %dma_start3A_121] : memref<32x262144xf32, #tpu.memory_space<hbm>> -> memref<1x32768xf32, #tpu.memory_space<hbm>>
    %dma_start3A_123 = tpu.memref_squeeze %dma_start3A_122 : memref<1x32768xf32, #tpu.memory_space<hbm>> -> memref<32768xf32, #tpu.memory_space<hbm>>
    tpu.enqueue_dma source(%dma_start3A_123 : memref<32768xf32, #tpu.memory_space<hbm>>) target(%arg13 : memref<32768xf32, #tpu.memory_space<vmem>>) target_semaphore(%arg16 : memref<!tpu.dma_semaphore, #tpu.memory_space<semaphore_mem>>)
    %dma_wait3A_124 = arith.constant 131072 : i32
    %dma_wait3A_125 = tpu.memref_slice %arg6[%add3A, %dma_wait3A_124] : memref<32x262144xf32, #tpu.memory_space<hbm>> -> memref<1x32768xf32, #tpu.memory_space<hbm>>
    %dma_wait3A_126 = tpu.memref_squeeze %dma_wait3A_125 : memref<1x32768xf32, #tpu.memory_space<hbm>> -> memref<32768xf32, #tpu.memory_space<hbm>>
    %dma_wait3A_127 = arith.constant 131072 : i32
    %dma_wait3A_128 = tpu.memref_slice %arg6[%add3A, %dma_wait3A_127] : memref<32x262144xf32, #tpu.memory_space<hbm>> -> memref<1x32768xf32, #tpu.memory_space<hbm>>
    %dma_wait3A_129 = tpu.memref_squeeze %dma_wait3A_128 : memref<1x32768xf32, #tpu.memory_space<hbm>> -> memref<32768xf32, #tpu.memory_space<hbm>>
    tpu.wait_dma2 semaphore(%arg15 : memref<!tpu.dma_semaphore, #tpu.memory_space<semaphore_mem>>) src(%dma_wait3A_129 : memref<32768xf32, #tpu.memory_space<hbm>>) dst(%arg12 : memref<32768xf32, #tpu.memory_space<vmem>>)
    %parallel_loop3A_130 = arith.constant 0 : i32
    %parallel_loop3A_131 = arith.constant 16384 : i32
    %parallel_loop3A_132 = arith.constant 16 : i32
    scf.for %parallel_loop3A_172 = %parallel_loop3A_130 to %parallel_loop3A_131 step %parallel_loop3A_132  : i32 {
      %parallel_loop3A_173 = arith.index_cast %parallel_loop3A_172 : i32 to index
      %parallel_loop3A_174 = tpu.vector_load %arg8[%parallel_loop3A_173] {strides = array<i32>} : memref<16384xi32, #tpu.memory_space<vmem>>, vector<16xi32>,
      %parallel_loop3A_175 = arith.constant 15 : i32
      %parallel_loop3A_176 = vector.broadcast %parallel_loop3A_175 : i32 to vector<16xi32>
      %parallel_loop3A_177 = arith.shrui %parallel_loop3A_174, %parallel_loop3A_176 : vector<16xi32>
      %parallel_loop3A_178 = arith.constant 4 : i32
      %parallel_loop3A_179 = vector.broadcast %parallel_loop3A_178 : i32 to vector<16xi32>
      %parallel_loop3A_180 = arith.cmpi eq, %parallel_loop3A_177, %parallel_loop3A_179 : vector<16xi32>
      %parallel_loop3A_181 = arith.constant 32767 : i32
      %parallel_loop3A_182 = vector.broadcast %parallel_loop3A_181 : i32 to vector<16xi32>
      %parallel_loop3A_183 = arith.andi %parallel_loop3A_174, %parallel_loop3A_182 : vector<16xi32>
      %parallel_loop3A_184 = tpu.vector_load_idx %arg12[%parallel_loop3A_183] masked %parallel_loop3A_180 : memref<32768xf32, #tpu.memory_space<vmem>>[vector<16xi32>], vector<16xf32>, vector<16xi1>
      %parallel_loop3A_185 = arith.constant 0.000000e+00 : f32
      %parallel_loop3A_186 = vector.broadcast %parallel_loop3A_185 : f32 to vector<16xf32>
      %parallel_loop3A_187 = arith.select %parallel_loop3A_180, %parallel_loop3A_184, %parallel_loop3A_186 : vector<16xi1>, vector<16xf32>
      %parallel_loop3A_188 = arith.index_cast %parallel_loop3A_172 : i32 to index
      %parallel_loop3A_189 = tpu.vector_load %arg9[%parallel_loop3A_188] {strides = array<i32>} : memref<16384xf32, #tpu.memory_space<vmem>>, vector<16xf32>,
      tpu.vector_store %arg9[%parallel_loop3A_188], %parallel_loop3A_187 {add = true, strides = array<i32>} : memref<16384xf32, #tpu.memory_space<vmem>>, vector<16xf32>,
    } {sc.loop_unroll_factor = 8 : i64, sc.parallel_access}
    %dma_start3A_133 = arith.constant 196608 : i32
    %dma_start3A_134 = tpu.memref_slice %arg6[%add3A, %dma_start3A_133] : memref<32x262144xf32, #tpu.memory_space<hbm>> -> memref<1x32768xf32, #tpu.memory_space<hbm>>
    %dma_start3A_135 = tpu.memref_squeeze %dma_start3A_134 : memref<1x32768xf32, #tpu.memory_space<hbm>> -> memref<32768xf32, #tpu.memory_space<hbm>>
    %dma_start3A_136 = arith.constant 196608 : i32
    %dma_start3A_137 = tpu.memref_slice %arg6[%add3A, %dma_start3A_136] : memref<32x262144xf32, #tpu.memory_space<hbm>> -> memref<1x32768xf32, #tpu.memory_space<hbm>>
    %dma_start3A_138 = tpu.memref_squeeze %dma_start3A_137 : memref<1x32768xf32, #tpu.memory_space<hbm>> -> memref<32768xf32, #tpu.memory_space<hbm>>
    tpu.enqueue_dma source(%dma_start3A_138 : memref<32768xf32, #tpu.memory_space<hbm>>) target(%arg12 : memref<32768xf32, #tpu.memory_space<vmem>>) target_semaphore(%arg15 : memref<!tpu.dma_semaphore, #tpu.memory_space<semaphore_mem>>)
    %dma_wait3A_139 = arith.constant 163840 : i32
    %dma_wait3A_140 = tpu.memref_slice %arg6[%add3A, %dma_wait3A_139] : memref<32x262144xf32, #tpu.memory_space<hbm>> -> memref<1x32768xf32, #tpu.memory_space<hbm>>
    %dma_wait3A_141 = tpu.memref_squeeze %dma_wait3A_140 : memref<1x32768xf32, #tpu.memory_space<hbm>> -> memref<32768xf32, #tpu.memory_space<hbm>>
    %dma_wait3A_142 = arith.constant 163840 : i32
    %dma_wait3A_143 = tpu.memref_slice %arg6[%add3A, %dma_wait3A_142] : memref<32x262144xf32, #tpu.memory_space<hbm>> -> memref<1x32768xf32, #tpu.memory_space<hbm>>
    %dma_wait3A_144 = tpu.memref_squeeze %dma_wait3A_143 : memref<1x32768xf32, #tpu.memory_space<hbm>> -> memref<32768xf32, #tpu.memory_space<hbm>>
    tpu.wait_dma2 semaphore(%arg16 : memref<!tpu.dma_semaphore, #tpu.memory_space<semaphore_mem>>) src(%dma_wait3A_144 : memref<32768xf32, #tpu.memory_space<hbm>>) dst(%arg13 : memref<32768xf32, #tpu.memory_space<vmem>>)
    %parallel_loop3A_145 = arith.constant 0 : i32
    %parallel_loop3A_146 = arith.constant 16384 : i32
    %parallel_loop3A_147 = arith.constant 16 : i32
    scf.for %parallel_loop3A_172 = %parallel_loop3A_145 to %parallel_loop3A_146 step %parallel_loop3A_147  : i32 {
      %parallel_loop3A_173 = arith.index_cast %parallel_loop3A_172 : i32 to index
      %parallel_loop3A_174 = tpu.vector_load %arg8[%parallel_loop3A_173] {strides = array<i32>} : memref<16384xi32, #tpu.memory_space<vmem>>, vector<16xi32>,
      %parallel_loop3A_175 = arith.constant 15 : i32
      %parallel_loop3A_176 = vector.broadcast %parallel_loop3A_175 : i32 to vector<16xi32>
      %parallel_loop3A_177 = arith.shrui %parallel_loop3A_174, %parallel_loop3A_176 : vector<16xi32>
      %parallel_loop3A_178 = arith.constant 5 : i32
      %parallel_loop3A_179 = vector.broadcast %parallel_loop3A_178 : i32 to vector<16xi32>
      %parallel_loop3A_180 = arith.cmpi eq, %parallel_loop3A_177, %parallel_loop3A_179 : vector<16xi32>
      %parallel_loop3A_181 = arith.constant 32767 : i32
      %parallel_loop3A_182 = vector.broadcast %parallel_loop3A_181 : i32 to vector<16xi32>
      %parallel_loop3A_183 = arith.andi %parallel_loop3A_174, %parallel_loop3A_182 : vector<16xi32>
      %parallel_loop3A_184 = tpu.vector_load_idx %arg13[%parallel_loop3A_183] masked %parallel_loop3A_180 : memref<32768xf32, #tpu.memory_space<vmem>>[vector<16xi32>], vector<16xf32>, vector<16xi1>
      %parallel_loop3A_185 = arith.constant 0.000000e+00 : f32
      %parallel_loop3A_186 = vector.broadcast %parallel_loop3A_185 : f32 to vector<16xf32>
      %parallel_loop3A_187 = arith.select %parallel_loop3A_180, %parallel_loop3A_184, %parallel_loop3A_186 : vector<16xi1>, vector<16xf32>
      %parallel_loop3A_188 = arith.index_cast %parallel_loop3A_172 : i32 to index
      %parallel_loop3A_189 = tpu.vector_load %arg9[%parallel_loop3A_188] {strides = array<i32>} : memref<16384xf32, #tpu.memory_space<vmem>>, vector<16xf32>,
      tpu.vector_store %arg9[%parallel_loop3A_188], %parallel_loop3A_187 {add = true, strides = array<i32>} : memref<16384xf32, #tpu.memory_space<vmem>>, vector<16xf32>,
    } {sc.loop_unroll_factor = 8 : i64, sc.parallel_access}
    %dma_start3A_148 = arith.constant 229376 : i32
    %dma_start3A_149 = tpu.memref_slice %arg6[%add3A, %dma_start3A_148] : memref<32x262144xf32, #tpu.memory_space<hbm>> -> memref<1x32768xf32, #tpu.memory_space<hbm>>
    %dma_start3A_150 = tpu.memref_squeeze %dma_start3A_149 : memref<1x32768xf32, #tpu.memory_space<hbm>> -> memref<32768xf32, #tpu.memory_space<hbm>>
    %dma_start3A_151 = arith.constant 229376 : i32
    %dma_start3A_152 = tpu.memref_slice %arg6[%add3A, %dma_start3A_151] : memref<32x262144xf32, #tpu.memory_space<hbm>> -> memref<1x32768xf32, #tpu.memory_space<hbm>>
    %dma_start3A_153 = tpu.memref_squeeze %dma_start3A_152 : memref<1x32768xf32, #tpu.memory_space<hbm>> -> memref<32768xf32, #tpu.memory_space<hbm>>
    tpu.enqueue_dma source(%dma_start3A_153 : memref<32768xf32, #tpu.memory_space<hbm>>) target(%arg13 : memref<32768xf32, #tpu.memory_space<vmem>>) target_semaphore(%arg16 : memref<!tpu.dma_semaphore, #tpu.memory_space<semaphore_mem>>)
    %dma_wait3A_154 = arith.constant 196608 : i32
    %dma_wait3A_155 = tpu.memref_slice %arg6[%add3A, %dma_wait3A_154] : memref<32x262144xf32, #tpu.memory_space<hbm>> -> memref<1x32768xf32, #tpu.memory_space<hbm>>
    %dma_wait3A_156 = tpu.memref_squeeze %dma_wait3A_155 : memref<1x32768xf32, #tpu.memory_space<hbm>> -> memref<32768xf32, #tpu.memory_space<hbm>>
    %dma_wait3A_157 = arith.constant 196608 : i32
    %dma_wait3A_158 = tpu.memref_slice %arg6[%add3A, %dma_wait3A_157] : memref<32x262144xf32, #tpu.memory_space<hbm>> -> memref<1x32768xf32, #tpu.memory_space<hbm>>
    %dma_wait3A_159 = tpu.memref_squeeze %dma_wait3A_158 : memref<1x32768xf32, #tpu.memory_space<hbm>> -> memref<32768xf32, #tpu.memory_space<hbm>>
    tpu.wait_dma2 semaphore(%arg15 : memref<!tpu.dma_semaphore, #tpu.memory_space<semaphore_mem>>) src(%dma_wait3A_159 : memref<32768xf32, #tpu.memory_space<hbm>>) dst(%arg12 : memref<32768xf32, #tpu.memory_space<vmem>>)
    %parallel_loop3A_160 = arith.constant 0 : i32
    %parallel_loop3A_161 = arith.constant 16384 : i32
    %parallel_loop3A_162 = arith.constant 16 : i32
    scf.for %parallel_loop3A_172 = %parallel_loop3A_160 to %parallel_loop3A_161 step %parallel_loop3A_162  : i32 {
      %parallel_loop3A_173 = arith.index_cast %parallel_loop3A_172 : i32 to index
      %parallel_loop3A_174 = tpu.vector_load %arg8[%parallel_loop3A_173] {strides = array<i32>} : memref<16384xi32, #tpu.memory_space<vmem>>, vector<16xi32>,
      %parallel_loop3A_175 = arith.constant 15 : i32
      %parallel_loop3A_176 = vector.broadcast %parallel_loop3A_175 : i32 to vector<16xi32>
      %parallel_loop3A_177 = arith.shrui %parallel_loop3A_174, %parallel_loop3A_176 : vector<16xi32>
      %parallel_loop3A_178 = arith.constant 6 : i32
      %parallel_loop3A_179 = vector.broadcast %parallel_loop3A_178 : i32 to vector<16xi32>
      %parallel_loop3A_180 = arith.cmpi eq, %parallel_loop3A_177, %parallel_loop3A_179 : vector<16xi32>
      %parallel_loop3A_181 = arith.constant 32767 : i32
      %parallel_loop3A_182 = vector.broadcast %parallel_loop3A_181 : i32 to vector<16xi32>
      %parallel_loop3A_183 = arith.andi %parallel_loop3A_174, %parallel_loop3A_182 : vector<16xi32>
      %parallel_loop3A_184 = tpu.vector_load_idx %arg12[%parallel_loop3A_183] masked %parallel_loop3A_180 : memref<32768xf32, #tpu.memory_space<vmem>>[vector<16xi32>], vector<16xf32>, vector<16xi1>
      %parallel_loop3A_185 = arith.constant 0.000000e+00 : f32
      %parallel_loop3A_186 = vector.broadcast %parallel_loop3A_185 : f32 to vector<16xf32>
      %parallel_loop3A_187 = arith.select %parallel_loop3A_180, %parallel_loop3A_184, %parallel_loop3A_186 : vector<16xi1>, vector<16xf32>
      %parallel_loop3A_188 = arith.index_cast %parallel_loop3A_172 : i32 to index
      %parallel_loop3A_189 = tpu.vector_load %arg9[%parallel_loop3A_188] {strides = array<i32>} : memref<16384xf32, #tpu.memory_space<vmem>>, vector<16xf32>,
      tpu.vector_store %arg9[%parallel_loop3A_188], %parallel_loop3A_187 {add = true, strides = array<i32>} : memref<16384xf32, #tpu.memory_space<vmem>>, vector<16xf32>,
    } {sc.loop_unroll_factor = 8 : i64, sc.parallel_access}
    %dma_wait3A_163 = arith.constant 229376 : i32
    %dma_wait3A_164 = tpu.memref_slice %arg6[%add3A, %dma_wait3A_163] : memref<32x262144xf32, #tpu.memory_space<hbm>> -> memref<1x32768xf32, #tpu.memory_space<hbm>>
    %dma_wait3A_165 = tpu.memref_squeeze %dma_wait3A_164 : memref<1x32768xf32, #tpu.memory_space<hbm>> -> memref<32768xf32, #tpu.memory_space<hbm>>
    %dma_wait3A_166 = arith.constant 229376 : i32
    %dma_wait3A_167 = tpu.memref_slice %arg6[%add3A, %dma_wait3A_166] : memref<32x262144xf32, #tpu.memory_space<hbm>> -> memref<1x32768xf32, #tpu.memory_space<hbm>>
    %dma_wait3A_168 = tpu.memref_squeeze %dma_wait3A_167 : memref<1x32768xf32, #tpu.memory_space<hbm>> -> memref<32768xf32, #tpu.memory_space<hbm>>
    tpu.wait_dma2 semaphore(%arg16 : memref<!tpu.dma_semaphore, #tpu.memory_space<semaphore_mem>>) src(%dma_wait3A_168 : memref<32768xf32, #tpu.memory_space<hbm>>) dst(%arg13 : memref<32768xf32, #tpu.memory_space<vmem>>)
    %parallel_loop3A_169 = arith.constant 0 : i32
    %parallel_loop3A_170 = arith.constant 16384 : i32
    %parallel_loop3A_171 = arith.constant 16 : i32
    scf.for %parallel_loop3A_172 = %parallel_loop3A_169 to %parallel_loop3A_170 step %parallel_loop3A_171  : i32 {
      %parallel_loop3A_173 = arith.index_cast %parallel_loop3A_172 : i32 to index
      %parallel_loop3A_174 = tpu.vector_load %arg8[%parallel_loop3A_173] {strides = array<i32>} : memref<16384xi32, #tpu.memory_space<vmem>>, vector<16xi32>,
      %parallel_loop3A_175 = arith.constant 15 : i32
      %parallel_loop3A_176 = vector.broadcast %parallel_loop3A_175 : i32 to vector<16xi32>
      %parallel_loop3A_177 = arith.shrui %parallel_loop3A_174, %parallel_loop3A_176 : vector<16xi32>
      %parallel_loop3A_178 = arith.constant 7 : i32
      %parallel_loop3A_179 = vector.broadcast %parallel_loop3A_178 : i32 to vector<16xi32>
      %parallel_loop3A_180 = arith.cmpi eq, %parallel_loop3A_177, %parallel_loop3A_179 : vector<16xi32>
      %parallel_loop3A_181 = arith.constant 32767 : i32
      %parallel_loop3A_182 = vector.broadcast %parallel_loop3A_181 : i32 to vector<16xi32>
      %parallel_loop3A_183 = arith.andi %parallel_loop3A_174, %parallel_loop3A_182 : vector<16xi32>
      %parallel_loop3A_184 = tpu.vector_load_idx %arg13[%parallel_loop3A_183] masked %parallel_loop3A_180 : memref<32768xf32, #tpu.memory_space<vmem>>[vector<16xi32>], vector<16xf32>, vector<16xi1>
      %parallel_loop3A_185 = arith.constant 0.000000e+00 : f32
      %parallel_loop3A_186 = vector.broadcast %parallel_loop3A_185 : f32 to vector<16xf32>
      %parallel_loop3A_187 = arith.select %parallel_loop3A_180, %parallel_loop3A_184, %parallel_loop3A_186 : vector<16xi1>, vector<16xf32>
      %parallel_loop3A_188 = arith.index_cast %parallel_loop3A_172 : i32 to index
      %parallel_loop3A_189 = tpu.vector_load %arg9[%parallel_loop3A_188] {strides = array<i32>} : memref<16384xf32, #tpu.memory_space<vmem>>, vector<16xf32>,
      tpu.vector_store %arg9[%parallel_loop3A_188], %parallel_loop3A_187 {add = true, strides = array<i32>} : memref<16384xf32, #tpu.memory_space<vmem>>, vector<16xf32>,
    } {sc.loop_unroll_factor = 8 : i64, sc.parallel_access}
    "tpu.region"() ({
      %run_scoped3A = tpu.sem_alloc : memref<!tpu.dma_semaphore, #tpu.memory_space<semaphore_mem>>
      %dma_start3A_172 = arith.constant 0 : i32
      %dma_start3A_173 = tpu.memref_slice %arg7[%add3A, %dma_start3A_172] : memref<32x16384xf32, #tpu.memory_space<hbm>> -> memref<1x16384xf32, #tpu.memory_space<hbm>>
      %dma_start3A_174 = tpu.memref_squeeze %dma_start3A_173 : memref<1x16384xf32, #tpu.memory_space<hbm>> -> memref<16384xf32, #tpu.memory_space<hbm>>
      %dma_start3A_175 = arith.constant 0 : i32
      %dma_start3A_176 = tpu.memref_slice %arg7[%add3A, %dma_start3A_175] : memref<32x16384xf32, #tpu.memory_space<hbm>> -> memref<1x16384xf32, #tpu.memory_space<hbm>>
      %dma_start3A_177 = tpu.memref_squeeze %dma_start3A_176 : memref<1x16384xf32, #tpu.memory_space<hbm>> -> memref<16384xf32, #tpu.memory_space<hbm>>
      tpu.enqueue_dma source(%arg9 : memref<16384xf32, #tpu.memory_space<vmem>>) target(%dma_start3A_177 : memref<16384xf32, #tpu.memory_space<hbm>>) target_semaphore(%run_scoped3A : memref<!tpu.dma_semaphore, #tpu.memory_space<semaphore_mem>>)
      %dma_wait3A_178 = arith.constant 0 : i32
      %dma_wait3A_179 = tpu.memref_slice %arg7[%add3A, %dma_wait3A_178] : memref<32x16384xf32, #tpu.memory_space<hbm>> -> memref<1x16384xf32, #tpu.memory_space<hbm>>
      %dma_wait3A_180 = tpu.memref_squeeze %dma_wait3A_179 : memref<1x16384xf32, #tpu.memory_space<hbm>> -> memref<16384xf32, #tpu.memory_space<hbm>>
      %dma_wait3A_181 = arith.constant 0 : i32
      %dma_wait3A_182 = tpu.memref_slice %arg7[%add3A, %dma_wait3A_181] : memref<32x16384xf32, #tpu.memory_space<hbm>> -> memref<1x16384xf32, #tpu.memory_space<hbm>>
      %dma_wait3A_183 = tpu.memref_squeeze %dma_wait3A_182 : memref<1x16384xf32, #tpu.memory_space<hbm>> -> memref<16384xf32, #tpu.memory_space<hbm>>
      tpu.wait_dma2 semaphore(%run_scoped3A : memref<!tpu.dma_semaphore, #tpu.memory_space<semaphore_mem>>) src(%arg9 : memref<16384xf32, #tpu.memory_space<vmem>>) dst(%dma_wait3A_183 : memref<16384xf32, #tpu.memory_space<hbm>>)
      tpu.yield
    }) : () -> ()
    return
  }
}

</mosaic_0001>

<sc_bundles>
// kernel: _octree_lookup.3.cloned.1.call-start
scs
__scs_entry_jumppad:
0x0: {  	(pc) =	sbr.rel $0x88, $3  }
0x1: {  	(tag) =	ssettag $0x0;
	lr =	simm.s32 $0x1  }
0x2: {  	[smem:$0x3F9C] =	sst lr;
	_ =	strace $0xD0000000  }
0x3: {  	_ = 	snop  }
0x4: {  	_ = 	snop  }
0x5: {  	_ = 	snop  }
0x6: {  	_ = 	snop  }
0x7: {  	_ = 	snop  }
__scs_overlays_trampoline_lowered:
0x8: {  	[smem:$0x3FAB] =	sst s0  }
0x9: {  	[smem:$0x3FAC] =	sst s1  }
0xa: {  	[smem:$0x3FAD] =	sst s2  }
0xb: {  	[smem:$0x3FAE] =	sst s3  }
0xc: {  	[smem:$0x3FAF] =	sst s4  }
0xd: {  	[smem:$0x3FB0] =	sst s5  }
0xe: {  	[smem:$0x3FB1] =	sst s6  }
0xf: {  	[smem:$0x3FB2] =	sst s7  }
0x10: {  	[smem:$0x3FB3] =	sst s8  }
0x11: {  	[smem:$0x3FB4] =	sst s9;
	s0 =	simm.s32 @!p0 $0x0  }
0x12: {  	s1 =	sld [smem:$0x3F9A];
	s0 =	simm.s32 @p0 $0x1  }
0x13: {  	[smem:$0x3FB5] =	sst s0;
	s0 =	simm.s32 @!p1 $0x0  }
0x14: {  	s2 =	sld [smem:$0x3F99];
	s0 =	simm.s32 @p1 $0x1  }
0x15: {  	[smem:$0x3FB6] =	sst s0;
	s0 =	simm.s32 @!p2 $0x0  }
0x16: {  	s3 =	sld [smem:$0x3FDB];
	s0 =	simm.s32 @p2 $0x1  }
0x17: {  	s4 =	simm.s32 $0x1BF5;
	[smem:$0x3FB8] =	sst s0  }
0x18: {  	s0 =	sld [smem:$0x3F9B];
	_ =	swait.ge [sflag:s4], $0x0  }
0x19: {  	s7 =	sld [smem:$0x3F9C]  }
0x1a: {  	s8 =	sadd.s32 $0xFFFFE003, lr  }
0x1b: {  	s9 =	sadd.s32 $0xFFFFFEF7, lr;
	s5 =	simm.s32 $0xFFFFFFFF;
	p2 =	slt.u32 s8, $0xFFFFF086  }
0x1c: {  	p1 =	slt.u32 s9, $0xF7A;
	s5 =	simm.s32 @!p2 $0x0  }
0x1d: {  	s5 =	simm.s32 @p1 $0x1;
	p0 =	seq.s32 s7, s2  }
0x1e: {  	s7 =	smul.u32 @!p0 $0xF7A, s2;
	p2 =	seq.s32 @!p0 s5, $0x0  }
0x1f: {  	s9 =	smul.u32 $0xF7A, s1;
	s8 =	simm.s32 @!p0 $0x1BF5;
	p2 =	por !p2, p0  }
0x20: {  	[sflag:s8] =	ssyncset.s32 @!p0 $0xFFFFF086;
	s6 =	sadd.s32 @!p0 s3, s7;
	s7 =	simm.s32 @!p0 $0x108  }
0x21: {  	s3 =	sadd.s32 s3, s9;
	s6 =	sadd.s32 @!p0 $0x88, s6;
	s7 =	simm.s32 @p2 $0x1082  }
0x22: {  	[simem:s7], [sflag:s8] =	dma.local @!p0 [hbm:s6], $0xF7A  }
0x23: {  	s9 =	sor.u32 $0xD0000000, s2;
	s6 =	simm.s32 $0x108;
	_ =	swait.ge @!p0 [sflag:s8], $0x0  }
0x24: {  	s3 =	sadd.s32 $0x88, s3;
	s6 =	simm.s32 @!p1 $0x1082;
	[sflag:s4] =	ssyncset.s32 $0xFFFFF086  }
0x25: {  	[simem:s6], [sflag:s4] =	dma.local [hbm:s3], $0xF7A  }
0x26: {  	[smem:$0x3F9C] =	sst s1;
	(tag) =	ssettag s2;
	_ =	strace s9  }
0x27: {  	s1 =	sld [smem:$0x3FAC]  }
0x28: {  	s2 =	sld [smem:$0x3FAD]  }
0x29: {  	s4 =	sld [smem:$0x3FAF]  }
0x2a: {  	p0 =	seq.s32 s5, $0x0;
	s5 =	sld [smem:$0x3FB0]  }
0x2b: {  	s6 =	sld [smem:$0x3FB1]  }
0x2c: {  	s7 =	sld [smem:$0x3FB2]  }
0x2d: {  	s3 =	simm.s32 $0x108;
	s8 =	sld [smem:$0x3FB3]  }
0x2e: {  	s3 =	simm.s32 @!p0 $0x1082;
	s9 =	sld [smem:$0x3FB4]  }
0x2f: {  	lr =	sadd.s32 s0, s3;
	s0 =	sld [smem:$0x3FAB]  }
0x30: {  	s3 =	sld [smem:$0x3FAE]  }
0x31: {  	[smem:$0x3FB7] =	sst s10  }
0x32: {  	s10 =	sld [smem:$0x3FB5];
	_ =	sdelay $0x3  }
0x33: {  	p0 =	seq.s32 s10, $0x1;
	s10 =	sld [smem:$0x3FB7];
	_ =	sdelay $0x3  }
0x34: {  	[smem:$0x3FB7] =	sst s10  }
0x35: {  	s10 =	sld [smem:$0x3FB6];
	_ =	sdelay $0x3  }
0x36: {  	p1 =	seq.s32 s10, $0x1;
	s10 =	sld [smem:$0x3FB7];
	_ =	sdelay $0x3  }
0x37: {  	[smem:$0x3FB7] =	sst s10  }
0x38: {  	s10 =	sld [smem:$0x3FB8]  }
0x39: {  	_ = 	snop;
	(pc) =	sbr.ind lr, $3  }
0x3a: {  	_ = 	snop  }
0x3b: {  	_ = 	snop  }
0x3c: {  	p2 =	seq.s32 s10, $0x1;
	s10 =	sld [smem:$0x3FB7]  }
0x3d: {  	_ =	shalt  }
0x3e: {  	_ =	shalt  }
0x3f: {  	_ =	shalt  }
0x40: {  	_ =	shalt  }
0x41: {  	_ =	shalt  }
0x42: {  	_ =	shalt  }
0x43: {  	_ =	shalt  }
0x44: {  	_ =	shalt  }
0x45: {  	_ =	shalt  }
0x46: {  	_ =	shalt  }
0x47: {  	_ =	shalt  }
0x48: {  	_ =	shalt  }
0x49: {  	_ =	shalt  }
0x4a: {  	_ =	shalt  }
0x4b: {  	_ =	shalt  }
0x4c: {  	_ =	shalt  }
0x4d: {  	_ =	shalt  }
0x4e: {  	_ =	shalt  }
0x4f: {  	_ =	shalt  }
0x50: {  	_ =	shalt  }
0x51: {  	_ =	shalt  }
0x52: {  	_ =	shalt  }
0x53: {  	_ =	shalt  }
0x54: {  	_ =	shalt  }
0x55: {  	_ =	shalt  }
0x56: {  	_ =	shalt  }
0x57: {  	_ =	shalt  }
0x58: {  	_ =	shalt  }
0x59: {  	_ =	shalt  }
0x5a: {  	_ =	shalt  }
0x5b: {  	_ =	shalt  }
0x5c: {  	_ =	shalt  }
0x5d: {  	_ =	shalt  }
0x5e: {  	_ =	shalt  }
0x5f: {  	_ =	shalt  }
0x60: {  	_ =	shalt  }
0x61: {  	_ =	shalt  }
0x62: {  	_ =	shalt  }
0x63: {  	_ =	shalt  }
0x64: {  	_ =	shalt  }
0x65: {  	_ =	shalt  }
0x66: {  	_ =	shalt  }
0x67: {  	_ =	shalt  }
0x68: {  	_ =	shalt  }
0x69: {  	_ =	shalt  }
0x6a: {  	_ =	shalt  }
0x6b: {  	_ =	shalt  }
0x6c: {  	_ =	shalt  }
0x6d: {  	_ =	shalt  }
0x6e: {  	_ =	shalt  }
0x6f: {  	_ =	shalt  }
0x70: {  	_ =	shalt  }
0x71: {  	_ =	shalt  }
0x72: {  	_ =	shalt  }
0x73: {  	_ =	shalt  }
0x74: {  	_ =	shalt  }
0x75: {  	_ =	shalt  }
0x76: {  	_ =	shalt  }
0x77: {  	_ =	shalt  }
0x78: {  	_ =	shalt  }
0x79: {  	_ =	shalt  }
0x7a: {  	_ =	shalt  }
0x7b: {  	_ =	shalt  }
0x7c: {  	_ =	shalt  }
0x7d: {  	_ =	shalt  }
0x7e: {  	_ =	shalt  }
0x7f: {  	_ =	shalt  }
0x80: {  	_ =	shalt  }
0x81: {  	_ =	shalt  }
0x82: {  	_ =	shalt  }
0x83: {  	_ =	shalt  }
0x84: {  	_ =	shalt  }
0x85: {  	_ =	shalt  }
0x86: {  	_ =	shalt  }
0x87: {  	_ =	shalt  }
.Lfunc_end0:
.L_simem_size_0:
called_computation_lowered:
.L_overlay_start_0:
0x88: {  	s2 =	sld [smem:$0x3FD9]  }
0x89: {  	s3 =	sld [smem:$0x3FFE];
	_ =	sdelay $0x1  }
0x8a: {  	s1 =	srdreg.scid  }
0x8b: {  	s0 =	sand.u32 $0x1, s1  }
0x8c: {  	s18 =	sshll.u32 s0, $0xA;
	s2 =	sadd.s32 s3, s2  }
0x8d: {  	s2 =	sadd.s32 s2, s18  }
0x8e: {  	[smem:$0x3FC3] =	sst s2  }
0x8f: {  	_ = 	snop  }
0x90: {  	s2 =	sld [smem:$0x3FC9]  }
0x91: {  	s19 =	sld [smem:$0x3FC8]  }
0x92: {  	s4 =	sld [smem:$0x3FC7]  }
0x93: {  	s5 =	sld [smem:$0x3FC6]  }
0x94: {  	s6 =	sld [smem:$0x3FC5]  }
0x95: {  	s7 =	sld [smem:$0x3FD0];
	(tm) =	ssettm $0x1  }
0x96: {  	s8 =	sld [smem:$0x3FFB];
	_ =	sdelay $0x3  }
0x97: {  	_ =	strace s8  }
0x98: {  	s8 =	sld [smem:$0x3FFC];
	_ =	sdelay $0x3  }
0x99: {  	_ =	strace s8  }
0x9a: {  	s8 =	sld [smem:$0x3FFD];
	_ =	sdelay $0x3  }
0x9b: {  	_ =	strace s8  }
0x9c: {  	_ =	strace $0x8FFFFFFF  }
0x9d: {  	s20 =	sld [smem:$0x3FDB];
	_ =	sdelay $0x1  }
0x9e: {  	s9 =	simm.s32 $_scs_section_size  }
0x9f: {  	s10 =	simm.s32 $_size__tile_overlayer_lowered;
	s11 =	simm.s32 $_tile_overlayer_lowered  }
0xa0: {  	s23 =	simm.s32 $0x1BFF;
	s22 =	sshll.u32 s11, $0x1;
	s8 =	sadd.s32 s9, s20  }
0xa1: {  	s12 =	simm.s32 $0x0;
	s21 =	sshll.u32 s10, $0x1;
	s10 =	sadd.s32 s22, s8  }
0xa2: {  	[timem:s12], [sflag:s23] =	dma.local [hbm:s10], s21  }
0xa3: {  	_ =	swait.ge [sflag:s23], s21  }
0xa4: {  	s9 =	ssub.s32 $0x0, s21;
	[sflag:s23] =	ssyncset.done $0x0  }
0xa5: {  	[sflag:s23] =	ssyncadd.s32 s9;
	_ =	sdelay $0x1  }
0xa6: {  	s24 =	simm.s32 $0x1B8B  }
0xa7: {  	_ =	swait.ge [sflag:s24], $0x1  }
0xa8: {  	[sflag:s24] =	ssyncset.done $0x0  }
0xa9: {  	s25 =	simm.s32 $0x1B8E;
	[sflag:s24] =	ssyncadd.s32 $0xFFFFFFFF  }
0xaa: {  	s26 =	simm.s32 $execute0_lowered;
	[smem:$0x3FD2] =	sst s25  }
0xab: {  	s9 =	sshll.u32 s26, $0x1;
	_ =	strace $0x80000046;
	[dreg:$0x1] =	wrdreg $0xFFFFFFFF  }
0xac: {  	s28 =	simm.s32 $_size_execute0_lowered;
	s8 =	sadd.s32 s8, s9;
	[dreg:$0x0] =	wrdreg $0x0  }
0xad: {  	s9 =	sshll.u32 s28, $0x1;
	[dreg:$0x2] =	wrdreg s8  }
0xae: {  	[dreg:$0x3] =	wrdreg s9  }
0xaf: {  	[dreg:$0x4] =	wrdreg $0xC0  }
0xb0: {  	_ =	task [dreg:s12], $0x5FFFF  }
0xb1: {  	[dreg:$0x1] =	wrdreg $0xFFFFFFFF  }
0xb2: {  	[dreg:$0x0] =	wrdreg $0x60  }
0xb3: {  	[dreg:$0x2] =	wrdreg s2  }
0xb4: {  	[dreg:$0x3] =	wrdreg s19  }
0xb5: {  	[dreg:$0x4] =	wrdreg s4  }
0xb6: {  	[dreg:$0x5] =	wrdreg s5  }
0xb7: {  	[dreg:$0x6] =	wrdreg s6  }
0xb8: {  	[dreg:$0x7] =	wrdreg s7  }
0xb9: {  	[dreg:$0x8] =	wrdreg $0x9  }
0xba: {  	_ =	task.clear_ibuf [dreg:s12], $0x9FFFF;
	_ =	strace $0x90000046  }
0xbb: {  	s29 =	simm.s32 $0x9;
	_ =	strace $0x80000048  }
0xbc: {  	_ =	swait.ge [sflag:s29], $0x1  }
0xbd: {  	[sflag:s29] =	ssyncadd.s32 $0xFFFFFFFF  }
0xbe: {  	_ =	strace $0x90000048  }
0xbf: {  	_ =	sfence  }
0xc0: {  	s30 =	sld [smem:$0x0];
	_ =	sdelay $0x2  }
0xc1: {  	s31 =	sshll.u32 s1, $0xD;
	s1 =	sshrl.u32 s1, $0x2  }
0xc2: {  	s3 =	sand.u32 $0x4000, s31;
	s1 =	sadd.s32 s1, s30  }
0xc3: {  	s0 =	sor.u32 s3, s0;
	s1 =	sshll.u32 s1, $0x11  }
0xc4: {  	s0 =	sor.u32 s1, s0  }
0xc5: {  	s0 =	sadd.s32 $0x8F2B, s0  }
0xc6: {  	[sflag:s0] =	ssyncadd.remote.s32 $0x1  }
0xc7: {  	_ =	sfence.sel $0xFFFF  }
0xc8: {  	[dreg:$0x0] =	wrdreg $0xFFFFFFFF;
	(pc) =	sbr.abs _section_cstart, $3  }
0xc9: {  	[dreg:$0x1] =	wrdreg $0xFFFFFFFF  }
0xca: {  	_ =	task.clear_ibuf [dreg:s12], $0x2FFFF;
	_ =	strace $0x9FFFFFFF  }
0xcb: {  	(tm) =	ssettm $0x7FFFFFFF  }
tec
execute0_lowered:
.L_overlay_start_1:
0x0: {  	(tag) =	ssettag $0x1  }
0x1: {  	s0 =	rddreg [dreg:$0x1]  }
0x2: {  	s1 =	rddreg [dreg:$0x2]  }
0x3: {  	s2 =	rddreg [dreg:$0x3]  }
0x4: {  	s8 =	rddreg [dreg:$0x4]  }
0x5: {  	s16 =	rddreg [dreg:$0x5];
	s3 =	srdreg.scid  }
0x6: {  	s5 =	stileid.u32;
	s19 =	simm.s32 $0x400;
	s20 =	simm.s32 $0x8000  }
0x7: {  	s21 =	simm.s32 $0x9000;
	s22 =	simm.s32 $0xD000;
	s28 =	simm.s32 $0x4000  }
0x8: {  	s29 =	simm.s32 $0x4;
	s30 =	simm.s32 $0x0;
	s4 =	sand.u32 $0x1, s3  }
0x9: {  	s23 =	sshll.u32 s5, $0x8;
	s5 =	sshrl.u32 s5, $0x2;
	s3 =	simm.s32 $0x0  }
0xa: {  	s6 =	sshll.u32 s4, $0x7;
	s7 =	sand.u32 $0x300, s23;
	s24 =	sshll.u32 s5, $0xF  }
0xb: {  	[smem:$0x7FF] =	sst s3;
	s4 =	ssub.s32 $0x2, s4;
	s25 =	sshll.u32 s5, $0x13  }
0xc: {  	s26 =	sshll.u32 s5, $0x11;
	s5 =	sshll.u32 s5, $0x15;
	s6 =	sor.u32 s6, s7  }
0xd: {  	s23 =	simm.s32 $0x15000;
	s9 =	sshrl.u32 s4, $0x1;
	s7 =	sor.u32 s24, s6  }
0xe: {  	_ =	strace $0x80000047;
	s17 =	ssub.s32 s4, s9;
	s7 =	sshrl.u32 s7, $0x3  }
0xf: {  	s24 =	simm.s32 $0x1;
	s17 =	smax.u32 s17, $0x1;
	s4 =	sadd.s32 s0, s7  }
0x10: {  	s0 =	sor.u32 s25, s6;
	s7 =	sor.u32 s26, s6;
	s6 =	sor.u32 s5, s6  }
0x11: {  	s25 =	simm.s32 $0x2;
	s26 =	simm.s32 $0x3;
	s0 =	sshrl.u32 s0, $0x3  }
0x12: {  	s18 =	sshrl.u32 s7, $0x3;
	s31 =	sshrl.u32 s6, $0x3;
	s5 =	sadd.s32 s2, s0  }
0x13: {  	s6 =	sadd.s32 s1, s18;
	s8 =	sadd.s32 s8, s31;
	s16 =	sadd.s32 s16, s18  }
0x14: {  	s18 =	simm.s32 $0x80;
	s7 =	sadd.s32 $0x8000, s5;
	s9 =	sadd.s32 $0x8000, s8  }
0x15: {  	s10 =	sadd.s32 $0x10000, s8;
	s11 =	sadd.s32 $0x18000, s8;
	s12 =	sadd.s32 $0x20000, s8  }
0x16: {  	s13 =	sadd.s32 $0x28000, s8;
	s14 =	sadd.s32 $0x30000, s8;
	s15 =	sadd.s32 $0x38000, s8  }
.LBB2_1:
0x17: {  	s0 =	rddreg [dreg:$0x0]  }
0x18: {  	[tilespmem:s3], [sflag:$0x1] =	stream.linear.gather [hbm4b:s0+s3], $0x4000, $0x38;
	[tilespmem:$0x1D000] =	vst v63  }
0x19: {  	_ = 	snop  }
0x1a: {  	[tilespmem:s20], [sflag:$0x1] =	stream.strided.gather [hbm4b:s4+s18], $0x1000, s19, s18, $0x38;
	[tilespmem:$0x1D000] =	vst v63  }
0x1b: {  	_ = 	snop  }
0x1c: {  	[tilespmem:s21], [sflag:$0x1] =	stream.strided.gather [hbm4b:s6+s18], $0x4000, s19, s18, $0x38;
	[tilespmem:$0x1D000] =	vst v63  }
0x1d: {  	_ = 	snop  }
0x1e: {  	[tilespmem:s22], [sflag:$0x2] =	stream.strided.gather [hbm4b:s5+s18], $0x8000, s19, s18, $0x38;
	[tilespmem:$0x1D000] =	vst v63  }
0x1f: {  	_ = 	snop  }
0x20: {  	[tilespmem:s23], [sflag:$0x3] =	stream.strided.gather [hbm4b:s7+s18], $0x8000, s19, s18, $0x38;
	[tilespmem:$0x1D000] =	vst v63  }
0x21: {  	_ =	swait.ge [sflag:s24], $0x4000  }
0x22: {  	[sflag:s24] =	ssyncset.done $0x0  }
0x23: {  	[sflag:s24] =	ssyncadd.s32 $0xFFFFC000  }
0x24: {  	_ =	swait.ge [sflag:s24], $0x1000  }
0x25: {  	[sflag:s24] =	ssyncset.done $0x0  }
0x26: {  	[sflag:s24] =	ssyncadd.s32 $0xFFFFF000  }
0x27: {  	_ =	swait.ge [sflag:s24], $0x4000  }
0x28: {  	[sflag:s24] =	ssyncset.done $0x0  }
0x29: {  	[sflag:s24] =	ssyncadd.s32 $0xFFFFC000  }
0x2a: {  	_ =	swait.ge [sflag:s25], $0x8000  }
0x2b: {  	[sflag:s25] =	ssyncset.done $0x0  }
0x2c: {  	s2 =	simm.s32 $0x40;
	[sflag:s25] =	ssyncadd.s32 $0xFFFF8000  }
0x2d: {  	v0 =	vld [tilespmem:s2+$0x30]  }
0x2e: {  	v1 =	vld [tilespmem:s2+$0xFFFFFFD0];
	_ =	sdelay $0x1  }
0x2f: {  	v2 =	vld [tilespmem:s2+$0xFFFFFFE0];
	_ =	sdelay $0x1  }
0x30: {  	v7 =	vld [tilespmem:s2+$0xFFFFFFC0];
	v5 =	vand.u32 $0xFFF, v0  }
0x31: {  	v3 =	vld [tilespmem:s2+$0xFFFFFFF0];
	v8 =	vand.u32 $0xFFF, v1  }
0x32: {  	v6 =	vld [tilespmem:s2+$0x0];
	v11 =	vand.u32 $0x3FFF, v1  }
0x33: {  	v9 =	vld [tilespmem:s2+$0x10];
	v12 =	vand.u32 $0xFFF, v2  }
0x34: {  	v10 =	vld [tilespmem:s2+$0x20];
	v13 =	vand.u32 $0x3FFF, v2  }
0x35: {  	v14 =	vand.u32 $0xFFF, v7;
	v5 =	vld.idx.msk [tilespmem:v5+s20+$0x0], $0xffff  }
0x36: {  	v15 =	vand.u32 $0x3FFF, v7;
	v16 =	vld.idx.msk [tilespmem:v8+s20+$0x0], $0xffff  }
0x37: {  	v18 =	vand.u32 $0xFFF, v6;
	v17 =	vld.idx.msk [tilespmem:v11+s21+$0x0], $0xffff  }
0x38: {  	v4 =	vand.u32 $0x8000, v0;
	v19 =	vand.u32 $0x3FFF, v6;
	v12 =	vld.idx.msk [tilespmem:v12+s20+$0x0], $0xffff  }
0x39: {  	vm0 =	veq.s32 v4, $0x0;
	v4 =	vand.u32 $0x3FFF, v0;
	v13 =	vld.idx.msk [tilespmem:v13+s21+$0x0], $0xffff  }
0x3a: {  	v8 =	vand.u32 $0xFFF, v3;
	v20 =	vld.idx.msk [tilespmem:v14+s20+$0x0], $0xffff  }
0x3b: {  	v11 =	vand.u32 $0x3FFF, v3;
	v15 =	vld.idx.msk [tilespmem:v15+s21+$0x0], $0xffff  }
0x3c: {  	v0 =	vand.u32 $0x7FFF, v0;
	v18 =	vld.idx.msk [tilespmem:v18+s20+$0x0], $0xffff  }
0x3d: {  	v21 =	vand.u32 $0x3FFF, v9;
	v19 =	vld.idx.msk [tilespmem:v19+s21+$0x0], $0xffff  }
0x3e: {  	v14 =	vand.u32 $0xFFF, v9;
	v4 =	vld.idx.msk [tilespmem:v4+s21+$0x0], $0xffff  }
0x3f: {  	v23 =	vand.u32 $0xFFF, v10;
	v22 =	vld.idx.msk [tilespmem:v8+s20+$0x0], $0xffff;
	v8 =	vand.u32 $0x8000, v7  }
0x40: {  	v25 =	vand.u32 $0x3FFF, v10;
	v24 =	vld.idx.msk [tilespmem:v11+s21+$0x0], $0xffff;
	v11 =	vand.u32 $0x8000, v1;
	vm6 =	veq.s32 v8, $0x0  }
0x41: {  	v0 =	vld.idx.msk [tilespmem:v0+s22+$0x0], vm0;
	v8 =	vand.u32 $0x8000, v2;
	vm5 =	veq.s32 v11, $0x0;
	v11 =	vand.u32 $0x7FFF, v7  }
0x42: {  	v21 =	vld.idx.msk [tilespmem:v21+s21+$0x0], $0xffff;
	v1 =	vand.u32 $0x7FFF, v1;
	v7 =	vand.u32 $0x8000, v3;
	vm4 =	veq.s32 v8, $0x0  }
0x43: {  	v26 =	vld.idx.msk [tilespmem:v14+s20+$0x0], $0xffff;
	v2 =	vand.u32 $0x7FFF, v2;
	v8 =	vand.u32 $0x8000, v6;
	vm3 =	veq.s32 v7, $0x0  }
0x44: {  	v27 =	vand.u32 $0x7FFF, v3;
	v7 =	vld.idx.msk [tilespmem:v23+s20+$0x0], $0xffff;
	vm2 =	veq.s32 v8, $0x0  }
0x45: {  	v62 =	vand.u32 $0x7FFF, v6;
	v3 =	vand.u32 $0x8000, v9;
	v5 =	vadd.f32 v4, v5;
	v8 =	vld.idx.msk [tilespmem:v25+s21+$0x0], $0xffff  }
0x46: {  	v4 =	vand.u32 $0x8000, v10;
	vm1 =	veq.s32 v3, $0x0;
	v0 =	vnsel vm0, $0x0, v0;
	v14 =	vld.idx.msk [tilespmem:v11+s22+$0x0], vm6  }
0x47: {  	vm7 =	veq.s32 v4, $0x0;
	v4 =	vand.u32 $0x7FFF, v9;
	v6 =	vadd.f32 v13, v12;
	v11 =	vld.idx.msk [tilespmem:v1+s22+$0x0], vm5  }
0x48: {  	v3 =	vand.u32 $0x7FFF, v10;
	v9 =	vadd.f32 v15, v20;
	v63 =	vadd.f32 v5, v0;
	v12 =	vld.idx.msk [tilespmem:v2+s22+$0x0], vm4  }
0x49: {  	s31 =	simm.s32 $0x4040;
	v5 =	vadd.f32 v17, v16;
	vm0 =	vmmov vm1;
	v0 =	vadd.f32 v24, v22;
	v10 =	vld.idx.msk [tilespmem:v27+s22+$0x0], vm3  }
0x4a: {  	s1 =	simm.s32 $0x4040;
	s0 =	simm.s32 $0xC0;
	s2 =	simm.s32 $0x0;
	vm1 =	vmmov vm7;
	[tilespmem:s31+$0x30] =	vst v63;
	v1 =	vadd.f32 v19, v18;
	v2 =	vadd.f32 v21, v26;
	v13 =	vld.idx.msk [tilespmem:v62+s22+$0x0], vm2  }
.LBB2_2:
0x4b: {  	v15 =	vld [tilespmem:s0+$0x30];
	s2 =	sadd.s32 $0x80, s2;
	v7 =	vadd.f32 v8, v7  }
0x4c: {  	v14 =	vnsel vm6, $0x0, v14;
	v8 =	vld [tilespmem:s0+$0xFFFFFFD0];
	p0 =	slt.u32 s2, $0x3F80  }
0x4d: {  	v9 =	vadd.f32 v9, v14;
	v11 =	vnsel vm5, $0x0, v11;
	v16 =	vld [tilespmem:s0+$0xFFFFFFE0]  }
0x4e: {  	v5 =	vadd.f32 v5, v11;
	v11 =	vnsel vm4, $0x0, v12;
	v14 =	vld [tilespmem:s0+$0xFFFFFFF0]  }
0x4f: {  	v6 =	vadd.f32 v6, v11;
	v12 =	vld [tilespmem:s0+$0x0];
	[tilespmem:s31+$0xFFFFFFC0] =	vst v9;
	v9 =	vnsel vm3, $0x0, v10  }
0x50: {  	v13 =	vnsel vm2, $0x0, v13;
	v10 =	vld [tilespmem:s0+$0x10];
	v11 =	vand.u32 $0x8000, v15;
	v17 =	vand.u32 $0xFFF, v15;
	[tilespmem:s31+$0xFFFFFFD0] =	vst v5  }
0x51: {  	v5 =	vand.u32 $0x8000, v8;
	v18 =	vld [tilespmem:s0+$0x20];
	vm7 =	veq.s32 v11, $0x0;
	v11 =	vand.u32 $0x3FFF, v15;
	[tilespmem:s31+$0xFFFFFFE0] =	vst v6  }
0x52: {  	v19 =	vand.u32 $0xFFF, v8;
	v15 =	vand.u32 $0x7FFF, v15;
	v6 =	vld [tilespmem:s0+$0xFFFFFFC0];
	v20 =	vand.u32 $0x8000, v16  }
0x53: {  	v21 =	vand.u32 $0x3FFF, v8;
	v22 =	vand.u32 $0xFFF, v16;
	v23 =	vand.u32 $0x8000, v14;
	v24 =	vld.idx.msk [tilespmem:v4+s22+$0x0], vm0  }
0x54: {  	v4 =	vand.u32 $0x3FFF, v16;
	v25 =	vand.u32 $0xFFF, v14;
	v26 =	vand.u32 $0x8000, v12;
	v27 =	vld.idx.msk [tilespmem:v3+s22+$0x0], vm1  }
0x55: {  	v28 =	vand.u32 $0x3FFF, v14;
	v29 =	vand.u32 $0xFFF, v12;
	v3 =	vand.u32 $0x8000, v10;
	v17 =	vld.idx.msk [tilespmem:v17+s20+$0x0], $0xffff  }
0x56: {  	v30 =	vand.u32 $0x3FFF, v12;
	v31 =	vand.u32 $0xFFF, v10;
	v32 =	vand.u32 $0x8000, v18;
	v11 =	vld.idx.msk [tilespmem:v11+s21+$0x0], $0xffff  }
0x57: {  	v33 =	vand.u32 $0x8000, v6;
	v34 =	vand.u32 $0xFFF, v6;
	v35 =	vand.u32 $0x3FFF, v6;
	v15 =	vld.idx.msk [tilespmem:v15+s22+$0x0], vm7  }
0x58: {  	v36 =	vand.u32 $0x3FFF, v10;
	v37 =	vand.u32 $0xFFF, v18;
	v38 =	vand.u32 $0x3FFF, v18;
	v19 =	vld.idx.msk [tilespmem:v19+s20+$0x0], $0xffff  }
0x59: {  	vm5 =	veq.s32 v5, $0x0;
	vm4 =	veq.s32 v20, $0x0;
	vm6 =	veq.s32 v33, $0x0;
	v5 =	vld.idx.msk [tilespmem:v21+s21+$0x0], $0xffff  }
0x5a: {  	vm3 =	veq.s32 v23, $0x0;
	vm2 =	veq.s32 v26, $0x0;
	vm9 =	veq.s32 v3, $0x0;
	v20 =	vld.idx.msk [tilespmem:v22+s20+$0x0], $0xffff  }
0x5b: {  	vm8 =	veq.s32 v32, $0x0;
	v21 =	vand.u32 $0x7FFF, v6;
	v22 =	vand.u32 $0x7FFF, v8;
	v6 =	vld.idx.msk [tilespmem:v4+s21+$0x0], $0xffff  }
0x5c: {  	v16 =	vand.u32 $0x7FFF, v16;
	v23 =	vand.u32 $0x7FFF, v14;
	v11 =	vadd.f32 v11, v17;
	v8 =	vld.idx.msk [tilespmem:v34+s20+$0x0], $0xffff  }
0x5d: {  	v17 =	vand.u32 $0x7FFF, v12;
	v4 =	vand.u32 $0x7FFF, v10;
	v10 =	vnsel vm7, $0x0, v15;
	v14 =	vld.idx.msk [tilespmem:v35+s21+$0x0], $0xffff  }
0x5e: {  	v3 =	vand.u32 $0x7FFF, v18;
	v10 =	vadd.f32 v11, v10;
	v11 =	vnsel vm0, $0x0, v24;
	v12 =	vld.idx.msk [tilespmem:v25+s20+$0x0], $0xffff  }
0x5f: {  	v0 =	vadd.f32 v0, v9;
	s31 =	sadd.s32 $0x80, s31;
	v9 =	vnsel vm1, $0x0, v27;
	v5 =	vadd.f32 v5, v19;
	v15 =	vld.idx.msk [tilespmem:v28+s21+$0x0], $0xffff  }
0x60: {  	v1 =	vadd.f32 v1, v13;
	vm0 =	vmmov vm9;
	v2 =	vadd.f32 v2, v11;
	v18 =	vld.idx.msk [tilespmem:v29+s20+$0x0], $0xffff;
	[tilespmem:s31+$0x30] =	vst v10  }
0x61: {  	vm1 =	vmmov vm8;
	v6 =	vadd.f32 v6, v20;
	v10 =	vld.idx.msk [tilespmem:v30+s21+$0x0], $0xffff;
	[tilespmem:s1+$0xFFFFFFF0] =	vst v0;
	v0 =	vadd.f32 v7, v9  }
0x62: {  	v13 =	vld.idx.msk [tilespmem:v31+s20+$0x0], $0xffff;
	[tilespmem:s1+$0x0] =	vst v1  }
0x63: {  	v9 =	vadd.f32 v14, v8;
	v19 =	vld.idx.msk [tilespmem:v36+s21+$0x0], $0xffff;
	[tilespmem:s1+$0x10] =	vst v2  }
0x64: {  	v7 =	vld.idx.msk [tilespmem:v37+s20+$0x0], $0xffff;
	[tilespmem:s1+$0x20] =	vst v0;
	s1 =	smov.u32 s31  }
0x65: {  	v0 =	vadd.f32 v15, v12;
	v8 =	vld.idx.msk [tilespmem:v38+s21+$0x0], $0xffff  }
.Ltmp0:
0x66: {  	v14 =	vld.idx.msk [tilespmem:v21+s22+$0x0], vm6;
	(pc) =	sbr.rel @p0 .LBB2_2-.Ltmp0, $4  }
0x67: {  	v1 =	vadd.f32 v10, v18;
	v11 =	vld.idx.msk [tilespmem:v22+s22+$0x0], vm5  }
0x68: {  	v12 =	vld.idx.msk [tilespmem:v16+s22+$0x0], vm4  }
0x69: {  	v2 =	vadd.f32 v19, v13;
	v10 =	vld.idx.msk [tilespmem:v23+s22+$0x0], vm3  }
0x6a: {  	s0 =	sadd.s32 $0x80, s0;
	v13 =	vld.idx.msk [tilespmem:v17+s22+$0x0], vm2  }
0x6b: {  	_ =	sdelay $0x4  }
0x6c: {  	v14 =	vnsel vm6, $0x0, v14;
	v4 =	vld.idx.msk [tilespmem:v4+s22+$0x0], vm0  }
0x6d: {  	v3 =	vld.idx.msk [tilespmem:v3+s22+$0x0], vm1;
	v9 =	vadd.f32 v9, v14;
	v11 =	vnsel vm5, $0x0, v11  }
0x6e: {  	v5 =	vadd.f32 v5, v11;
	v56 =	vnsel vm4, $0x0, v12  }
0x6f: {  	[tilespmem:s31+$0xFFFFFFC0] =	vst v9;
	v6 =	vadd.f32 v6, v56;
	v57 =	vnsel vm3, $0x0, v10  }
0x70: {  	[tilespmem:s31+$0xFFFFFFD0] =	vst v5;
	v5 =	vnsel vm2, $0x0, v13;
	v0 =	vadd.f32 v0, v57  }
0x71: {  	v7 =	vadd.f32 v8, v7;
	[tilespmem:s31+$0xFFFFFFE0] =	vst v6;
	v4 =	vnsel vm0, $0x0, v4;
	v1 =	vadd.f32 v1, v5  }
0x72: {  	v3 =	vnsel vm1, $0x0, v3;
	v2 =	vadd.f32 v2, v4;
	[tilespmem:s1+$0xFFFFFFF0] =	vst v0  }
0x73: {  	v0 =	vadd.f32 v7, v3;
	[tilespmem:s1+$0x0] =	vst v1  }
0x74: {  	[tilespmem:s1+$0x10] =	vst v2  }
0x75: {  	[tilespmem:s1+$0x20] =	vst v0  }
0x76: {  	[tilespmem:s22], [sflag:$0x2] =	stream.strided.gather [hbm4b:s8+s18], $0x8000, s19, s18, $0x38;
	[tilespmem:$0x1D000] =	vst v63  }
0x77: {  	_ =	swait.ge [sflag:s26], $0x8000  }
0x78: {  	[sflag:s26] =	ssyncset.done $0x0  }
0x79: {  	s0 =	simm.s32 $0x0;
	[sflag:s26] =	ssyncadd.s32 $0xFFFF8000  }
0x7a: {  	v0 =	vld [tilespmem:s0+$0x70]  }
0x7b: {  	v1 =	vld [tilespmem:s0+$0x0]  }
0x7c: {  	v2 =	vld [tilespmem:s0+$0x10]  }
0x7d: {  	v3 =	vld [tilespmem:s0+$0x20]  }
0x7e: {  	v4 =	vld [tilespmem:s0+$0x30]  }
0x7f: {  	v5 =	vld [tilespmem:s0+$0x40];
	v6 =	vand.u32 $0x8000, v0  }
0x80: {  	v58 =	vld [tilespmem:s0+$0x50];
	v7 =	vand.u32 $0x8000, v1;
	vm3 =	vne.s32 v6, $0x0  }
0x81: {  	v0 =	vand.u32 $0x7FFF, v0;
	vm13 =	vne.s32 v7, $0x0;
	v6 =	vand.u32 $0x8000, v2  }
0x82: {  	v1 =	vand.u32 $0x7FFF, v1;
	v7 =	vld [tilespmem:s0+$0x60];
	vm14 =	vne.s32 v6, $0x0;
	v6 =	vand.u32 $0x8000, v3  }
0x83: {  	v2 =	vand.u32 $0x7FFF, v2;
	vm15 =	vne.s32 v6, $0x0;
	v6 =	vand.u32 $0x8000, v4  }
0x84: {  	v3 =	vand.u32 $0x7FFF, v3;
	vm7 =	vne.s32 v6, $0x0;
	v6 =	vand.u32 $0x8000, v5  }
0x85: {  	v4 =	vand.u32 $0x7FFF, v4;
	vm0 =	vne.s32 v6, $0x0;
	v6 =	vand.u32 $0x8000, v58  }
0x86: {  	v5 =	vand.u32 $0x7FFF, v5;
	vm1 =	vne.s32 v6, $0x0;
	v0 =	vld.idx.msk [tilespmem:v0+s23+$0x0], vm3  }
0x87: {  	v6 =	vand.u32 $0x7FFF, v58;
	v59 =	vand.u32 $0x8000, v7;
	v60 =	vld.idx.msk [tilespmem:v1+s23+$0x0], vm13  }
0x88: {  	vm2 =	vne.s32 v59, $0x0;
	v61 =	vld.idx.msk [tilespmem:v2+s23+$0x0], vm14  }
0x89: {  	v7 =	vand.u32 $0x7FFF, v7;
	v62 =	vld.idx.msk [tilespmem:v3+s23+$0x0], vm15  }
0x8a: {  	v63 =	vld.idx.msk [tilespmem:v4+s23+$0x0], vm7  }
0x8b: {  	v2 =	vld.idx.msk [tilespmem:v5+s23+$0x0], vm0  }
0x8c: {  	v1 =	vld.idx.msk [tilespmem:v6+s23+$0x0], vm1;
	v0 =	vnsel vm3, $0x0, v0  }
0x8d: {  	[tilespmem:s0+$0x4070] =	vst.add.f32.msk $0xffff, v0  }
0x8e: {  	v0 =	vnsel vm13, $0x0, v60;
	v3 =	vld.idx.msk [tilespmem:v7+s23+$0x0], vm2  }
0x8f: {  	v5 =	vnsel vm14, $0x0, v61;
	[tilespmem:s0+$0x4000] =	vst.add.f32.msk $0xffff, v0  }
0x90: {  	s2 =	simm.s32 $0x200;
	s1 =	simm.s32 $0x0;
	v4 =	vnsel vm15, $0x0, v62;
	[tilespmem:s0+$0x4010] =	vst.add.f32.msk $0xffff, v5;
	v0 =	vnsel vm7, $0x0, v63  }
.LBB2_4:
0x91: {  	s31 =	sshra.s32 s2, $0x2;
	s1 =	sadd.s32 $0x80, s1;
	[tilespmem:s0+$0x4020] =	vst.add.f32.msk $0xffff, v4;
	v2 =	vnsel vm0, $0x0, v2  }
0x92: {  	v1 =	vnsel vm1, $0x0, v1;
	v4 =	vld [tilespmem:s31+$0x70];
	p0 =	slt.u32 s1, $0x3F80  }
0x93: {  	v5 =	vld [tilespmem:s31+$0x0]  }
0x94: {  	v3 =	vnsel vm2, $0x0, v3;
	v6 =	vld [tilespmem:s31+$0x10]  }
0x95: {  	v7 =	vld [tilespmem:s31+$0x20]  }
0x96: {  	v8 =	vld [tilespmem:s31+$0x30]  }
0x97: {  	v9 =	vld [tilespmem:s31+$0x40];
	v10 =	vand.u32 $0x8000, v4  }
0x98: {  	v11 =	vand.u32 $0x8000, v5;
	v5 =	vand.u32 $0x7FFF, v5;
	v12 =	vld [tilespmem:s31+$0x50];
	vm4 =	vne.s32 v10, $0x0  }
0x99: {  	v4 =	vand.u32 $0x7FFF, v4;
	vm3 =	vne.s32 v11, $0x0;
	v10 =	vand.u32 $0x8000, v6;
	v11 =	vld [tilespmem:s31+$0x60]  }
0x9a: {  	v6 =	vand.u32 $0x7FFF, v6;
	vm5 =	vne.s32 v10, $0x0;
	v10 =	vand.u32 $0x8000, v7;
	[tilespmem:s0+$0x4030] =	vst.add.f32.msk $0xffff, v0  }
0x9b: {  	v0 =	vand.u32 $0x7FFF, v7;
	vm6 =	vne.s32 v10, $0x0;
	v7 =	vand.u32 $0x8000, v8;
	[tilespmem:s0+$0x4040] =	vst.add.f32.msk $0xffff, v2  }
0x9c: {  	v2 =	vand.u32 $0x7FFF, v8;
	vm7 =	vne.s32 v7, $0x0;
	v7 =	vand.u32 $0x8000, v9;
	[tilespmem:s0+$0x4050] =	vst.add.f32.msk $0xffff, v1  }
0x9d: {  	v1 =	vand.u32 $0x7FFF, v9;
	vm0 =	vne.s32 v7, $0x0;
	v7 =	vand.u32 $0x8000, v12;
	[tilespmem:s0+$0x4060] =	vst.add.f32.msk $0xffff, v3;
	s0 =	smov.u32 s31  }
0x9e: {  	v3 =	vand.u32 $0x7FFF, v12;
	vm1 =	vne.s32 v7, $0x0;
	v7 =	vand.u32 $0x8000, v11;
	v4 =	vld.idx.msk [tilespmem:v4+s23+$0x0], vm4  }
0x9f: {  	v5 =	vld.idx.msk [tilespmem:v5+s23+$0x0], vm3;
	vm2 =	vne.s32 v7, $0x0;
	v7 =	vand.u32 $0x7FFF, v11  }
0xa0: {  	v6 =	vld.idx.msk [tilespmem:v6+s23+$0x0], vm5  }
0xa1: {  	v0 =	vld.idx.msk [tilespmem:v0+s23+$0x0], vm6  }
0xa2: {  	v8 =	vld.idx.msk [tilespmem:v2+s23+$0x0], vm7  }
0xa3: {  	v2 =	vld.idx.msk [tilespmem:v1+s23+$0x0], vm0  }
.Ltmp1:
0xa4: {  	v1 =	vld.idx.msk [tilespmem:v3+s23+$0x0], vm1;
	v3 =	vnsel vm4, $0x0, v4;
	(pc) =	sbr.rel @p0 .LBB2_4-.Ltmp1, $4  }
0xa5: {  	v4 =	vnsel vm3, $0x0, v5;
	[tilespmem:s0+$0x4070] =	vst.add.f32.msk $0xffff, v3  }
0xa6: {  	v5 =	vnsel vm5, $0x0, v6;
	v3 =	vld.idx.msk [tilespmem:v7+s23+$0x0], vm2  }
0xa7: {  	[tilespmem:s0+$0x4000] =	vst.add.f32.msk $0xffff, v4;
	v4 =	vnsel vm6, $0x0, v0  }
0xa8: {  	s2 =	sadd.s32 $0x200, s2;
	v0 =	vnsel vm7, $0x0, v8;
	[tilespmem:s0+$0x4010] =	vst.add.f32.msk $0xffff, v5  }
0xa9: {  	[tilespmem:s0+$0x4020] =	vst.add.f32.msk $0xffff, v4  }
0xaa: {  	v2 =	vnsel vm0, $0x0, v2;
	[tilespmem:s0+$0x4030] =	vst.add.f32.msk $0xffff, v0  }
0xab: {  	v0 =	vnsel vm1, $0x0, v1;
	[tilespmem:s0+$0x4040] =	vst.add.f32.msk $0xffff, v2  }
0xac: {  	[tilespmem:s0+$0x4050] =	vst.add.f32.msk $0xffff, v0;
	v1 =	vnsel vm2, $0x0, v3  }
0xad: {  	[tilespmem:s0+$0x4060] =	vst.add.f32.msk $0xffff, v1  }
0xae: {  	[tilespmem:s23], [sflag:$0x3] =	stream.strided.gather [hbm4b:s9+s18], $0x8000, s19, s18, $0x38;
	[tilespmem:$0x1D000] =	vst v63  }
0xaf: {  	_ =	swait.ge [sflag:s25], $0x8000  }
0xb0: {  	[sflag:s25] =	ssyncset.done $0x0  }
0xb1: {  	s0 =	simm.s32 $0x0;
	[sflag:s25] =	ssyncadd.s32 $0xFFFF8000  }
0xb2: {  	v0 =	vld [tilespmem:s0+$0x70]  }
0xb3: {  	v1 =	vld [tilespmem:s0+$0x0]  }
0xb4: {  	v2 =	vld [tilespmem:s0+$0x10]  }
0xb5: {  	v3 =	vld [tilespmem:s0+$0x20]  }
0xb6: {  	v4 =	vld [tilespmem:s0+$0x30]  }
0xb7: {  	v5 =	vld [tilespmem:s0+$0x40];
	vm2 =	vlt.u32 v0, $0x8000  }
0xb8: {  	v6 =	vld [tilespmem:s0+$0x50];
	vm3 =	vlt.u32 v1, $0x8000;
	v0 =	vand.u32 $0x7FFF, v0  }
0xb9: {  	v7 =	vld [tilespmem:s0+$0x60];
	v1 =	vand.u32 $0x7FFF, v1;
	vm4 =	vlt.u32 v2, $0x8000  }
0xba: {  	v2 =	vand.u32 $0x7FFF, v2;
	vm5 =	vlt.u32 v3, $0x8000  }
0xbb: {  	v3 =	vand.u32 $0x7FFF, v3;
	vm6 =	vlt.u32 v4, $0x8000  }
0xbc: {  	v4 =	vand.u32 $0x7FFF, v4;
	vm7 =	vlt.u32 v5, $0x8000  }
0xbd: {  	v5 =	vand.u32 $0x7FFF, v5;
	vm0 =	vlt.u32 v6, $0x8000;
	v0 =	vld.idx.msk [tilespmem:v0+s22+$0x0], vm2  }
0xbe: {  	v6 =	vand.u32 $0x7FFF, v6;
	vm1 =	vlt.u32 v7, $0x8000;
	v8 =	vld.idx.msk [tilespmem:v1+s22+$0x0], vm3  }
0xbf: {  	v9 =	vld.idx.msk [tilespmem:v2+s22+$0x0], vm4;
	v2 =	vand.u32 $0x7FFF, v7  }
0xc0: {  	v3 =	vld.idx.msk [tilespmem:v3+s22+$0x0], vm5  }
0xc1: {  	v4 =	vld.idx.msk [tilespmem:v4+s22+$0x0], vm6  }
0xc2: {  	v5 =	vld.idx.msk [tilespmem:v5+s22+$0x0], vm7  }
0xc3: {  	v1 =	vld.idx.msk [tilespmem:v6+s22+$0x0], vm0  }
0xc4: {  	v0 =	vnsel vm2, $0x0, v0;
	v2 =	vld.idx.msk [tilespmem:v2+s22+$0x0], vm1  }
0xc5: {  	v63 =	vnsel vm4, $0x0, v9;
	[tilespmem:s0+$0x4070] =	vst.add.f32.msk $0xffff, v0  }
0xc6: {  	v0 =	vnsel vm3, $0x0, v8;
	[tilespmem:s0+$0x4010] =	vst.add.f32.msk $0xffff, v63  }
0xc7: {  	[tilespmem:s0+$0x4000] =	vst.add.f32.msk $0xffff, v0;
	v0 =	vnsel vm5, $0x0, v3  }
0xc8: {  	s1 =	simm.s32 $0x0;
	s2 =	simm.s32 $0x200;
	v3 =	vnsel vm6, $0x0, v4;
	[tilespmem:s0+$0x4020] =	vst.add.f32.msk $0xffff, v0;
	v0 =	vnsel vm7, $0x0, v5  }
.LBB2_6:
0xc9: {  	s31 =	sshra.s32 s2, $0x2;
	s1 =	sadd.s32 $0x80, s1;
	[tilespmem:s0+$0x4030] =	vst.add.f32.msk $0xffff, v3;
	v1 =	vnsel vm0, $0x0, v1  }
0xca: {  	v3 =	vld [tilespmem:s31+$0x70];
	p0 =	slt.u32 s1, $0x3F80  }
0xcb: {  	v2 =	vnsel vm1, $0x0, v2;
	v4 =	vld [tilespmem:s31+$0x0]  }
0xcc: {  	v5 =	vld [tilespmem:s31+$0x10]  }
0xcd: {  	v6 =	vld [tilespmem:s31+$0x20]  }
0xce: {  	v7 =	vld [tilespmem:s31+$0x30]  }
0xcf: {  	v8 =	vld [tilespmem:s31+$0x40];
	vm3 =	vlt.u32 v3, $0x8000  }
0xd0: {  	v3 =	vand.u32 $0x7FFF, v3;
	vm2 =	vlt.u32 v4, $0x8000;
	v4 =	vand.u32 $0x7FFF, v4;
	v9 =	vld [tilespmem:s31+$0x50]  }
0xd1: {  	vm4 =	vlt.u32 v5, $0x8000;
	v5 =	vand.u32 $0x7FFF, v5;
	v10 =	vld [tilespmem:s31+$0x60]  }
0xd2: {  	vm5 =	vlt.u32 v6, $0x8000;
	v6 =	vand.u32 $0x7FFF, v6;
	[tilespmem:s0+$0x4040] =	vst.add.f32.msk $0xffff, v0  }
0xd3: {  	vm6 =	vlt.u32 v7, $0x8000;
	v0 =	vand.u32 $0x7FFF, v7;
	[tilespmem:s0+$0x4050] =	vst.add.f32.msk $0xffff, v1  }
0xd4: {  	vm7 =	vlt.u32 v8, $0x8000;
	v1 =	vand.u32 $0x7FFF, v8;
	[tilespmem:s0+$0x4060] =	vst.add.f32.msk $0xffff, v2;
	s0 =	smov.u32 s31  }
0xd5: {  	vm0 =	vlt.u32 v9, $0x8000;
	v2 =	vand.u32 $0x7FFF, v9;
	v3 =	vld.idx.msk [tilespmem:v3+s22+$0x0], vm3  }
0xd6: {  	v4 =	vld.idx.msk [tilespmem:v4+s22+$0x0], vm2;
	vm1 =	vlt.u32 v10, $0x8000;
	v7 =	vand.u32 $0x7FFF, v10  }
0xd7: {  	v5 =	vld.idx.msk [tilespmem:v5+s22+$0x0], vm4  }
0xd8: {  	v6 =	vld.idx.msk [tilespmem:v6+s22+$0x0], vm5  }
0xd9: {  	v0 =	vld.idx.msk [tilespmem:v0+s22+$0x0], vm6  }
0xda: {  	v8 =	vld.idx.msk [tilespmem:v1+s22+$0x0], vm7  }
0xdb: {  	v1 =	vld.idx.msk [tilespmem:v2+s22+$0x0], vm0;
	v2 =	vnsel vm3, $0x0, v3  }
.Ltmp2:
0xdc: {  	v3 =	vnsel vm2, $0x0, v4;
	[tilespmem:s0+$0x4070] =	vst.add.f32.msk $0xffff, v2;
	(pc) =	sbr.rel @p0 .LBB2_6-.Ltmp2, $4  }
0xdd: {  	v4 =	vnsel vm4, $0x0, v5;
	v2 =	vld.idx.msk [tilespmem:v7+s22+$0x0], vm1  }
0xde: {  	v5 =	vnsel vm5, $0x0, v6;
	[tilespmem:s0+$0x4000] =	vst.add.f32.msk $0xffff, v3  }
0xdf: {  	v3 =	vnsel vm6, $0x0, v0;
	[tilespmem:s0+$0x4010] =	vst.add.f32.msk $0xffff, v4  }
0xe0: {  	s2 =	sadd.s32 $0x200, s2;
	v0 =	vnsel vm7, $0x0, v8;
	[tilespmem:s0+$0x4020] =	vst.add.f32.msk $0xffff, v5  }
0xe1: {  	[tilespmem:s0+$0x4030] =	vst.add.f32.msk $0xffff, v3  }
0xe2: {  	v1 =	vnsel vm0, $0x0, v1;
	[tilespmem:s0+$0x4040] =	vst.add.f32.msk $0xffff, v0  }
0xe3: {  	v0 =	vnsel vm1, $0x0, v2;
	[tilespmem:s0+$0x4050] =	vst.add.f32.msk $0xffff, v1  }
0xe4: {  	[tilespmem:s0+$0x4060] =	vst.add.f32.msk $0xffff, v0  }
0xe5: {  	[tilespmem:s22], [sflag:$0x2] =	stream.strided.gather [hbm4b:s10+s18], $0x8000, s19, s18, $0x38;
	[tilespmem:$0x1D000] =	vst v63  }
0xe6: {  	_ =	swait.ge [sflag:s26], $0x8000  }
0xe7: {  	[sflag:s26] =	ssyncset.done $0x0  }
0xe8: {  	s0 =	simm.s32 $0x0;
	[sflag:s26] =	ssyncadd.s32 $0xFFFF8000  }
0xe9: {  	v0 =	vld [tilespmem:s0+$0x70]  }
0xea: {  	v1 =	vld [tilespmem:s0+$0x0]  }
0xeb: {  	v2 =	vld [tilespmem:s0+$0x10]  }
0xec: {  	v3 =	vld [tilespmem:s0+$0x20]  }
0xed: {  	v4 =	vld [tilespmem:s0+$0x30]  }
0xee: {  	v5 =	vld [tilespmem:s0+$0x40];
	v6 =	vand.u32 $0xFFFF8000, v0  }
0xef: {  	v8 =	vld [tilespmem:s0+$0x50];
	v7 =	vand.u32 $0xFFFF8000, v1;
	vm3 =	veq.s32 v6, $0x8000  }
0xf0: {  	v0 =	vand.u32 $0x7FFF, v0;
	vm4 =	veq.s32 v7, $0x8000;
	v6 =	vand.u32 $0xFFFF8000, v2  }
0xf1: {  	v1 =	vand.u32 $0x7FFF, v1;
	v7 =	vld [tilespmem:s0+$0x60];
	vm5 =	veq.s32 v6, $0x8000;
	v6 =	vand.u32 $0xFFFF8000, v3  }
0xf2: {  	v2 =	vand.u32 $0x7FFF, v2;
	vm6 =	veq.s32 v6, $0x8000;
	v6 =	vand.u32 $0xFFFF8000, v4  }
0xf3: {  	v3 =	vand.u32 $0x7FFF, v3;
	vm7 =	veq.s32 v6, $0x8000;
	v6 =	vand.u32 $0xFFFF8000, v5  }
0xf4: {  	v4 =	vand.u32 $0x7FFF, v4;
	vm0 =	veq.s32 v6, $0x8000;
	v6 =	vand.u32 $0xFFFF8000, v8  }
0xf5: {  	v5 =	vand.u32 $0x7FFF, v5;
	vm1 =	veq.s32 v6, $0x8000;
	v0 =	vld.idx.msk [tilespmem:v0+s23+$0x0], vm3  }
0xf6: {  	v6 =	vand.u32 $0x7FFF, v8;
	v62 =	vand.u32 $0xFFFF8000, v7;
	v9 =	vld.idx.msk [tilespmem:v1+s23+$0x0], vm4  }
0xf7: {  	vm2 =	veq.s32 v62, $0x8000;
	v63 =	vld.idx.msk [tilespmem:v2+s23+$0x0], vm5  }
0xf8: {  	v7 =	vand.u32 $0x7FFF, v7;
	v10 =	vld.idx.msk [tilespmem:v3+s23+$0x0], vm6  }
0xf9: {  	v11 =	vld.idx.msk [tilespmem:v4+s23+$0x0], vm7  }
0xfa: {  	v2 =	vld.idx.msk [tilespmem:v5+s23+$0x0], vm0  }
0xfb: {  	v1 =	vld.idx.msk [tilespmem:v6+s23+$0x0], vm1;
	v0 =	vnsel vm3, $0x0, v0  }
0xfc: {  	[tilespmem:s0+$0x4070] =	vst.add.f32.msk $0xffff, v0  }
0xfd: {  	v0 =	vnsel vm4, $0x0, v9;
	v3 =	vld.idx.msk [tilespmem:v7+s23+$0x0], vm2  }
0xfe: {  	v5 =	vnsel vm5, $0x0, v63;
	[tilespmem:s0+$0x4000] =	vst.add.f32.msk $0xffff, v0  }
0xff: {  	s1 =	simm.s32 $0x0;
	s2 =	simm.s32 $0x200;
	v4 =	vnsel vm6, $0x0, v10;
	[tilespmem:s0+$0x4010] =	vst.add.f32.msk $0xffff, v5;
	v0 =	vnsel vm7, $0x0, v11  }
.LBB2_8:
0x100: {  	s31 =	sshra.s32 s2, $0x2;
	s1 =	sadd.s32 $0x80, s1;
	[tilespmem:s0+$0x4020] =	vst.add.f32.msk $0xffff, v4;
	v2 =	vnsel vm0, $0x0, v2  }
0x101: {  	v1 =	vnsel vm1, $0x0, v1;
	v4 =	vld [tilespmem:s31+$0x70];
	p0 =	slt.u32 s1, $0x3F80  }
0x102: {  	v5 =	vld [tilespmem:s31+$0x0]  }
0x103: {  	v3 =	vnsel vm2, $0x0, v3;
	v6 =	vld [tilespmem:s31+$0x10]  }
0x104: {  	v7 =	vld [tilespmem:s31+$0x20]  }
0x105: {  	v8 =	vld [tilespmem:s31+$0x30]  }
0x106: {  	v9 =	vld [tilespmem:s31+$0x40];
	v10 =	vand.u32 $0xFFFF8000, v4  }
0x107: {  	v11 =	vand.u32 $0xFFFF8000, v5;
	v5 =	vand.u32 $0x7FFF, v5;
	v12 =	vld [tilespmem:s31+$0x50];
	vm4 =	veq.s32 v10, $0x8000  }
0x108: {  	v4 =	vand.u32 $0x7FFF, v4;
	vm3 =	veq.s32 v11, $0x8000;
	v10 =	vand.u32 $0xFFFF8000, v6;
	v11 =	vld [tilespmem:s31+$0x60]  }
0x109: {  	v6 =	vand.u32 $0x7FFF, v6;
	vm5 =	veq.s32 v10, $0x8000;
	v10 =	vand.u32 $0xFFFF8000, v7;
	[tilespmem:s0+$0x4030] =	vst.add.f32.msk $0xffff, v0  }
0x10a: {  	v0 =	vand.u32 $0x7FFF, v7;
	vm6 =	veq.s32 v10, $0x8000;
	v7 =	vand.u32 $0xFFFF8000, v8;
	[tilespmem:s0+$0x4040] =	vst.add.f32.msk $0xffff, v2  }
0x10b: {  	v2 =	vand.u32 $0x7FFF, v8;
	vm7 =	veq.s32 v7, $0x8000;
	v7 =	vand.u32 $0xFFFF8000, v9;
	[tilespmem:s0+$0x4050] =	vst.add.f32.msk $0xffff, v1  }
0x10c: {  	v1 =	vand.u32 $0x7FFF, v9;
	vm0 =	veq.s32 v7, $0x8000;
	v7 =	vand.u32 $0xFFFF8000, v12;
	[tilespmem:s0+$0x4060] =	vst.add.f32.msk $0xffff, v3;
	s0 =	smov.u32 s31  }
0x10d: {  	v3 =	vand.u32 $0x7FFF, v12;
	vm1 =	veq.s32 v7, $0x8000;
	v7 =	vand.u32 $0xFFFF8000, v11;
	v4 =	vld.idx.msk [tilespmem:v4+s23+$0x0], vm4  }
0x10e: {  	v5 =	vld.idx.msk [tilespmem:v5+s23+$0x0], vm3;
	vm2 =	veq.s32 v7, $0x8000;
	v7 =	vand.u32 $0x7FFF, v11  }
0x10f: {  	v6 =	vld.idx.msk [tilespmem:v6+s23+$0x0], vm5  }
0x110: {  	v0 =	vld.idx.msk [tilespmem:v0+s23+$0x0], vm6  }
0x111: {  	v8 =	vld.idx.msk [tilespmem:v2+s23+$0x0], vm7  }
0x112: {  	v2 =	vld.idx.msk [tilespmem:v1+s23+$0x0], vm0  }
.Ltmp3:
0x113: {  	v1 =	vld.idx.msk [tilespmem:v3+s23+$0x0], vm1;
	v3 =	vnsel vm4, $0x0, v4;
	(pc) =	sbr.rel @p0 .LBB2_8-.Ltmp3, $4  }
0x114: {  	v4 =	vnsel vm3, $0x0, v5;
	[tilespmem:s0+$0x4070] =	vst.add.f32.msk $0xffff, v3  }
0x115: {  	v5 =	vnsel vm5, $0x0, v6;
	v3 =	vld.idx.msk [tilespmem:v7+s23+$0x0], vm2  }
0x116: {  	[tilespmem:s0+$0x4000] =	vst.add.f32.msk $0xffff, v4;
	v4 =	vnsel vm6, $0x0, v0  }
0x117: {  	s2 =	sadd.s32 $0x200, s2;
	v0 =	vnsel vm7, $0x0, v8;
	[tilespmem:s0+$0x4010] =	vst.add.f32.msk $0xffff, v5  }
0x118: {  	[tilespmem:s0+$0x4020] =	vst.add.f32.msk $0xffff, v4  }
0x119: {  	v2 =	vnsel vm0, $0x0, v2;
	[tilespmem:s0+$0x4030] =	vst.add.f32.msk $0xffff, v0  }
0x11a: {  	v0 =	vnsel vm1, $0x0, v1;
	[tilespmem:s0+$0x4040] =	vst.add.f32.msk $0xffff, v2  }
0x11b: {  	[tilespmem:s0+$0x4050] =	vst.add.f32.msk $0xffff, v0;
	v1 =	vnsel vm2, $0x0, v3  }
0x11c: {  	[tilespmem:s0+$0x4060] =	vst.add.f32.msk $0xffff, v1  }
0x11d: {  	[tilespmem:s23], [sflag:$0x3] =	stream.strided.gather [hbm4b:s11+s18], $0x8000, s19, s18, $0x38;
	[tilespmem:$0x1D000] =	vst v63  }
0x11e: {  	_ =	swait.ge [sflag:s25], $0x8000  }
0x11f: {  	[sflag:s25] =	ssyncset.done $0x0  }
0x120: {  	s0 =	simm.s32 $0x0;
	[sflag:s25] =	ssyncadd.s32 $0xFFFF8000  }
0x121: {  	v0 =	vld [tilespmem:s0+$0x70]  }
0x122: {  	v1 =	vld [tilespmem:s0+$0x0]  }
0x123: {  	v2 =	vld [tilespmem:s0+$0x10]  }
0x124: {  	v3 =	vld [tilespmem:s0+$0x20]  }
0x125: {  	v4 =	vld [tilespmem:s0+$0x30]  }
0x126: {  	v5 =	vld [tilespmem:s0+$0x40];
	v6 =	vand.u32 $0xFFFF8000, v0  }
0x127: {  	v8 =	vld [tilespmem:s0+$0x50];
	v7 =	vand.u32 $0xFFFF8000, v1;
	vm3 =	veq.s32 v6, $0x10000  }
0x128: {  	v0 =	vand.u32 $0x7FFF, v0;
	vm4 =	veq.s32 v7, $0x10000;
	v6 =	vand.u32 $0xFFFF8000, v2  }
0x129: {  	v1 =	vand.u32 $0x7FFF, v1;
	v7 =	vld [tilespmem:s0+$0x60];
	vm5 =	veq.s32 v6, $0x10000;
	v6 =	vand.u32 $0xFFFF8000, v3  }
0x12a: {  	v2 =	vand.u32 $0x7FFF, v2;
	vm6 =	veq.s32 v6, $0x10000;
	v6 =	vand.u32 $0xFFFF8000, v4  }
0x12b: {  	v3 =	vand.u32 $0x7FFF, v3;
	vm7 =	veq.s32 v6, $0x10000;
	v6 =	vand.u32 $0xFFFF8000, v5  }
0x12c: {  	v4 =	vand.u32 $0x7FFF, v4;
	vm0 =	veq.s32 v6, $0x10000;
	v6 =	vand.u32 $0xFFFF8000, v8  }
0x12d: {  	v5 =	vand.u32 $0x7FFF, v5;
	vm1 =	veq.s32 v6, $0x10000;
	v0 =	vld.idx.msk [tilespmem:v0+s22+$0x0], vm3  }
0x12e: {  	v6 =	vand.u32 $0x7FFF, v8;
	v62 =	vand.u32 $0xFFFF8000, v7;
	v9 =	vld.idx.msk [tilespmem:v1+s22+$0x0], vm4  }
0x12f: {  	vm2 =	veq.s32 v62, $0x10000;
	v63 =	vld.idx.msk [tilespmem:v2+s22+$0x0], vm5  }
0x130: {  	v7 =	vand.u32 $0x7FFF, v7;
	v10 =	vld.idx.msk [tilespmem:v3+s22+$0x0], vm6  }
0x131: {  	v11 =	vld.idx.msk [tilespmem:v4+s22+$0x0], vm7  }
0x132: {  	v2 =	vld.idx.msk [tilespmem:v5+s22+$0x0], vm0  }
0x133: {  	v1 =	vld.idx.msk [tilespmem:v6+s22+$0x0], vm1;
	v0 =	vnsel vm3, $0x0, v0  }
0x134: {  	[tilespmem:s0+$0x4070] =	vst.add.f32.msk $0xffff, v0  }
0x135: {  	v0 =	vnsel vm4, $0x0, v9;
	v3 =	vld.idx.msk [tilespmem:v7+s22+$0x0], vm2  }
0x136: {  	v5 =	vnsel vm5, $0x0, v63;
	[tilespmem:s0+$0x4000] =	vst.add.f32.msk $0xffff, v0  }
0x137: {  	s1 =	simm.s32 $0x0;
	s2 =	simm.s32 $0x200;
	v4 =	vnsel vm6, $0x0, v10;
	[tilespmem:s0+$0x4010] =	vst.add.f32.msk $0xffff, v5;
	v0 =	vnsel vm7, $0x0, v11  }
.LBB2_10:
0x138: {  	s31 =	sshra.s32 s2, $0x2;
	s1 =	sadd.s32 $0x80, s1;
	[tilespmem:s0+$0x4020] =	vst.add.f32.msk $0xffff, v4;
	v2 =	vnsel vm0, $0x0, v2  }
0x139: {  	v1 =	vnsel vm1, $0x0, v1;
	v4 =	vld [tilespmem:s31+$0x70];
	p0 =	slt.u32 s1, $0x3F80  }
0x13a: {  	v5 =	vld [tilespmem:s31+$0x0]  }
0x13b: {  	v3 =	vnsel vm2, $0x0, v3;
	v6 =	vld [tilespmem:s31+$0x10]  }
0x13c: {  	v7 =	vld [tilespmem:s31+$0x20]  }
0x13d: {  	v8 =	vld [tilespmem:s31+$0x30]  }
0x13e: {  	v9 =	vld [tilespmem:s31+$0x40];
	v10 =	vand.u32 $0xFFFF8000, v4  }
0x13f: {  	v11 =	vand.u32 $0xFFFF8000, v5;
	v5 =	vand.u32 $0x7FFF, v5;
	v12 =	vld [tilespmem:s31+$0x50];
	vm4 =	veq.s32 v10, $0x10000  }
0x140: {  	v4 =	vand.u32 $0x7FFF, v4;
	vm3 =	veq.s32 v11, $0x10000;
	v10 =	vand.u32 $0xFFFF8000, v6;
	v11 =	vld [tilespmem:s31+$0x60]  }
0x141: {  	v6 =	vand.u32 $0x7FFF, v6;
	vm5 =	veq.s32 v10, $0x10000;
	v10 =	vand.u32 $0xFFFF8000, v7;
	[tilespmem:s0+$0x4030] =	vst.add.f32.msk $0xffff, v0  }
0x142: {  	v0 =	vand.u32 $0x7FFF, v7;
	vm6 =	veq.s32 v10, $0x10000;
	v7 =	vand.u32 $0xFFFF8000, v8;
	[tilespmem:s0+$0x4040] =	vst.add.f32.msk $0xffff, v2  }
0x143: {  	v2 =	vand.u32 $0x7FFF, v8;
	vm7 =	veq.s32 v7, $0x10000;
	v7 =	vand.u32 $0xFFFF8000, v9;
	[tilespmem:s0+$0x4050] =	vst.add.f32.msk $0xffff, v1  }
0x144: {  	v1 =	vand.u32 $0x7FFF, v9;
	vm0 =	veq.s32 v7, $0x10000;
	v7 =	vand.u32 $0xFFFF8000, v12;
	[tilespmem:s0+$0x4060] =	vst.add.f32.msk $0xffff, v3;
	s0 =	smov.u32 s31  }
0x145: {  	v3 =	vand.u32 $0x7FFF, v12;
	vm1 =	veq.s32 v7, $0x10000;
	v7 =	vand.u32 $0xFFFF8000, v11;
	v4 =	vld.idx.msk [tilespmem:v4+s22+$0x0], vm4  }
0x146: {  	v5 =	vld.idx.msk [tilespmem:v5+s22+$0x0], vm3;
	vm2 =	veq.s32 v7, $0x10000;
	v7 =	vand.u32 $0x7FFF, v11  }
0x147: {  	v6 =	vld.idx.msk [tilespmem:v6+s22+$0x0], vm5  }
0x148: {  	v0 =	vld.idx.msk [tilespmem:v0+s22+$0x0], vm6  }
0x149: {  	v8 =	vld.idx.msk [tilespmem:v2+s22+$0x0], vm7  }
0x14a: {  	v2 =	vld.idx.msk [tilespmem:v1+s22+$0x0], vm0  }
.Ltmp4:
0x14b: {  	v1 =	vld.idx.msk [tilespmem:v3+s22+$0x0], vm1;
	v3 =	vnsel vm4, $0x0, v4;
	(pc) =	sbr.rel @p0 .LBB2_10-.Ltmp4, $4  }
0x14c: {  	v4 =	vnsel vm3, $0x0, v5;
	[tilespmem:s0+$0x4070] =	vst.add.f32.msk $0xffff, v3  }
0x14d: {  	v5 =	vnsel vm5, $0x0, v6;
	v3 =	vld.idx.msk [tilespmem:v7+s22+$0x0], vm2  }
0x14e: {  	[tilespmem:s0+$0x4000] =	vst.add.f32.msk $0xffff, v4;
	v4 =	vnsel vm6, $0x0, v0  }
0x14f: {  	s2 =	sadd.s32 $0x200, s2;
	v0 =	vnsel vm7, $0x0, v8;
	[tilespmem:s0+$0x4010] =	vst.add.f32.msk $0xffff, v5  }
0x150: {  	[tilespmem:s0+$0x4020] =	vst.add.f32.msk $0xffff, v4  }
0x151: {  	v2 =	vnsel vm0, $0x0, v2;
	[tilespmem:s0+$0x4030] =	vst.add.f32.msk $0xffff, v0  }
0x152: {  	v0 =	vnsel vm1, $0x0, v1;
	[tilespmem:s0+$0x4040] =	vst.add.f32.msk $0xffff, v2  }
0x153: {  	[tilespmem:s0+$0x4050] =	vst.add.f32.msk $0xffff, v0;
	v1 =	vnsel vm2, $0x0, v3  }
0x154: {  	[tilespmem:s0+$0x4060] =	vst.add.f32.msk $0xffff, v1  }
0x155: {  	[tilespmem:s22], [sflag:$0x2] =	stream.strided.gather [hbm4b:s12+s18], $0x8000, s19, s18, $0x38;
	[tilespmem:$0x1D000] =	vst v63  }
0x156: {  	_ =	swait.ge [sflag:s26], $0x8000  }
0x157: {  	[sflag:s26] =	ssyncset.done $0x0  }
0x158: {  	s0 =	simm.s32 $0x0;
	[sflag:s26] =	ssyncadd.s32 $0xFFFF8000  }
0x159: {  	v0 =	vld [tilespmem:s0+$0x70]  }
0x15a: {  	v1 =	vld [tilespmem:s0+$0x0]  }
0x15b: {  	v2 =	vld [tilespmem:s0+$0x10]  }
0x15c: {  	v3 =	vld [tilespmem:s0+$0x20]  }
0x15d: {  	v4 =	vld [tilespmem:s0+$0x30]  }
0x15e: {  	v5 =	vld [tilespmem:s0+$0x40];
	v6 =	vand.u32 $0xFFFF8000, v0  }
0x15f: {  	v8 =	vld [tilespmem:s0+$0x50];
	v7 =	vand.u32 $0xFFFF8000, v1;
	vm3 =	veq.s32 v6, $0x18000  }
0x160: {  	v0 =	vand.u32 $0x7FFF, v0;
	vm4 =	veq.s32 v7, $0x18000;
	v6 =	vand.u32 $0xFFFF8000, v2  }
0x161: {  	v1 =	vand.u32 $0x7FFF, v1;
	v7 =	vld [tilespmem:s0+$0x60];
	vm5 =	veq.s32 v6, $0x18000;
	v6 =	vand.u32 $0xFFFF8000, v3  }
0x162: {  	v2 =	vand.u32 $0x7FFF, v2;
	vm6 =	veq.s32 v6, $0x18000;
	v6 =	vand.u32 $0xFFFF8000, v4  }
0x163: {  	v3 =	vand.u32 $0x7FFF, v3;
	vm7 =	veq.s32 v6, $0x18000;
	v6 =	vand.u32 $0xFFFF8000, v5  }
0x164: {  	v4 =	vand.u32 $0x7FFF, v4;
	vm0 =	veq.s32 v6, $0x18000;
	v6 =	vand.u32 $0xFFFF8000, v8  }
0x165: {  	v5 =	vand.u32 $0x7FFF, v5;
	vm1 =	veq.s32 v6, $0x18000;
	v0 =	vld.idx.msk [tilespmem:v0+s23+$0x0], vm3  }
0x166: {  	v6 =	vand.u32 $0x7FFF, v8;
	v62 =	vand.u32 $0xFFFF8000, v7;
	v9 =	vld.idx.msk [tilespmem:v1+s23+$0x0], vm4  }
0x167: {  	vm2 =	veq.s32 v62, $0x18000;
	v63 =	vld.idx.msk [tilespmem:v2+s23+$0x0], vm5  }
0x168: {  	v7 =	vand.u32 $0x7FFF, v7;
	v10 =	vld.idx.msk [tilespmem:v3+s23+$0x0], vm6  }
0x169: {  	v11 =	vld.idx.msk [tilespmem:v4+s23+$0x0], vm7  }
0x16a: {  	v2 =	vld.idx.msk [tilespmem:v5+s23+$0x0], vm0  }
0x16b: {  	v1 =	vld.idx.msk [tilespmem:v6+s23+$0x0], vm1;
	v0 =	vnsel vm3, $0x0, v0  }
0x16c: {  	[tilespmem:s0+$0x4070] =	vst.add.f32.msk $0xffff, v0  }
0x16d: {  	v0 =	vnsel vm4, $0x0, v9;
	v3 =	vld.idx.msk [tilespmem:v7+s23+$0x0], vm2  }
0x16e: {  	v5 =	vnsel vm5, $0x0, v63;
	[tilespmem:s0+$0x4000] =	vst.add.f32.msk $0xffff, v0  }
0x16f: {  	s1 =	simm.s32 $0x0;
	s2 =	simm.s32 $0x200;
	v4 =	vnsel vm6, $0x0, v10;
	[tilespmem:s0+$0x4010] =	vst.add.f32.msk $0xffff, v5;
	v0 =	vnsel vm7, $0x0, v11  }
.LBB2_12:
0x170: {  	s31 =	sshra.s32 s2, $0x2;
	s1 =	sadd.s32 $0x80, s1;
	[tilespmem:s0+$0x4020] =	vst.add.f32.msk $0xffff, v4;
	v2 =	vnsel vm0, $0x0, v2  }
0x171: {  	v1 =	vnsel vm1, $0x0, v1;
	v4 =	vld [tilespmem:s31+$0x70];
	p0 =	slt.u32 s1, $0x3F80  }
0x172: {  	v5 =	vld [tilespmem:s31+$0x0]  }
0x173: {  	v3 =	vnsel vm2, $0x0, v3;
	v6 =	vld [tilespmem:s31+$0x10]  }
0x174: {  	v7 =	vld [tilespmem:s31+$0x20]  }
0x175: {  	v8 =	vld [tilespmem:s31+$0x30]  }
0x176: {  	v9 =	vld [tilespmem:s31+$0x40];
	v10 =	vand.u32 $0xFFFF8000, v4  }
0x177: {  	v11 =	vand.u32 $0xFFFF8000, v5;
	v5 =	vand.u32 $0x7FFF, v5;
	v12 =	vld [tilespmem:s31+$0x50];
	vm4 =	veq.s32 v10, $0x18000  }
0x178: {  	v4 =	vand.u32 $0x7FFF, v4;
	vm3 =	veq.s32 v11, $0x18000;
	v10 =	vand.u32 $0xFFFF8000, v6;
	v11 =	vld [tilespmem:s31+$0x60]  }
0x179: {  	v6 =	vand.u32 $0x7FFF, v6;
	vm5 =	veq.s32 v10, $0x18000;
	v10 =	vand.u32 $0xFFFF8000, v7;
	[tilespmem:s0+$0x4030] =	vst.add.f32.msk $0xffff, v0  }
0x17a: {  	v0 =	vand.u32 $0x7FFF, v7;
	vm6 =	veq.s32 v10, $0x18000;
	v7 =	vand.u32 $0xFFFF8000, v8;
	[tilespmem:s0+$0x4040] =	vst.add.f32.msk $0xffff, v2  }
0x17b: {  	v2 =	vand.u32 $0x7FFF, v8;
	vm7 =	veq.s32 v7, $0x18000;
	v7 =	vand.u32 $0xFFFF8000, v9;
	[tilespmem:s0+$0x4050] =	vst.add.f32.msk $0xffff, v1  }
0x17c: {  	v1 =	vand.u32 $0x7FFF, v9;
	vm0 =	veq.s32 v7, $0x18000;
	v7 =	vand.u32 $0xFFFF8000, v12;
	[tilespmem:s0+$0x4060] =	vst.add.f32.msk $0xffff, v3;
	s0 =	smov.u32 s31  }
0x17d: {  	v3 =	vand.u32 $0x7FFF, v12;
	vm1 =	veq.s32 v7, $0x18000;
	v7 =	vand.u32 $0xFFFF8000, v11;
	v4 =	vld.idx.msk [tilespmem:v4+s23+$0x0], vm4  }
0x17e: {  	v5 =	vld.idx.msk [tilespmem:v5+s23+$0x0], vm3;
	vm2 =	veq.s32 v7, $0x18000;
	v7 =	vand.u32 $0x7FFF, v11  }
0x17f: {  	v6 =	vld.idx.msk [tilespmem:v6+s23+$0x0], vm5  }
0x180: {  	v0 =	vld.idx.msk [tilespmem:v0+s23+$0x0], vm6  }
0x181: {  	v8 =	vld.idx.msk [tilespmem:v2+s23+$0x0], vm7  }
0x182: {  	v2 =	vld.idx.msk [tilespmem:v1+s23+$0x0], vm0  }
.Ltmp5:
0x183: {  	v1 =	vld.idx.msk [tilespmem:v3+s23+$0x0], vm1;
	v3 =	vnsel vm4, $0x0, v4;
	(pc) =	sbr.rel @p0 .LBB2_12-.Ltmp5, $4  }
0x184: {  	v4 =	vnsel vm3, $0x0, v5;
	[tilespmem:s0+$0x4070] =	vst.add.f32.msk $0xffff, v3  }
0x185: {  	v5 =	vnsel vm5, $0x0, v6;
	v3 =	vld.idx.msk [tilespmem:v7+s23+$0x0], vm2  }
0x186: {  	[tilespmem:s0+$0x4000] =	vst.add.f32.msk $0xffff, v4;
	v4 =	vnsel vm6, $0x0, v0  }
0x187: {  	s2 =	sadd.s32 $0x200, s2;
	v0 =	vnsel vm7, $0x0, v8;
	[tilespmem:s0+$0x4010] =	vst.add.f32.msk $0xffff, v5  }
0x188: {  	[tilespmem:s0+$0x4020] =	vst.add.f32.msk $0xffff, v4  }
0x189: {  	v2 =	vnsel vm0, $0x0, v2;
	[tilespmem:s0+$0x4030] =	vst.add.f32.msk $0xffff, v0  }
0x18a: {  	v0 =	vnsel vm1, $0x0, v1;
	[tilespmem:s0+$0x4040] =	vst.add.f32.msk $0xffff, v2  }
0x18b: {  	[tilespmem:s0+$0x4050] =	vst.add.f32.msk $0xffff, v0;
	v1 =	vnsel vm2, $0x0, v3  }
0x18c: {  	[tilespmem:s0+$0x4060] =	vst.add.f32.msk $0xffff, v1  }
0x18d: {  	[tilespmem:s23], [sflag:$0x3] =	stream.strided.gather [hbm4b:s13+s18], $0x8000, s19, s18, $0x38;
	[tilespmem:$0x1D000] =	vst v63  }
0x18e: {  	_ =	swait.ge [sflag:s25], $0x8000  }
0x18f: {  	[sflag:s25] =	ssyncset.done $0x0  }
0x190: {  	s0 =	simm.s32 $0x0;
	[sflag:s25] =	ssyncadd.s32 $0xFFFF8000  }
0x191: {  	v0 =	vld [tilespmem:s0+$0x70]  }
0x192: {  	v1 =	vld [tilespmem:s0+$0x0]  }
0x193: {  	v2 =	vld [tilespmem:s0+$0x10]  }
0x194: {  	v3 =	vld [tilespmem:s0+$0x20]  }
0x195: {  	v4 =	vld [tilespmem:s0+$0x30]  }
0x196: {  	v5 =	vld [tilespmem:s0+$0x40];
	v6 =	vand.u32 $0xFFFF8000, v0  }
0x197: {  	v8 =	vld [tilespmem:s0+$0x50];
	v7 =	vand.u32 $0xFFFF8000, v1;
	vm3 =	veq.s32 v6, $0x20000  }
0x198: {  	v0 =	vand.u32 $0x7FFF, v0;
	vm4 =	veq.s32 v7, $0x20000;
	v6 =	vand.u32 $0xFFFF8000, v2  }
0x199: {  	v1 =	vand.u32 $0x7FFF, v1;
	v7 =	vld [tilespmem:s0+$0x60];
	vm5 =	veq.s32 v6, $0x20000;
	v6 =	vand.u32 $0xFFFF8000, v3  }
0x19a: {  	v2 =	vand.u32 $0x7FFF, v2;
	vm6 =	veq.s32 v6, $0x20000;
	v6 =	vand.u32 $0xFFFF8000, v4  }
0x19b: {  	v3 =	vand.u32 $0x7FFF, v3;
	vm7 =	veq.s32 v6, $0x20000;
	v6 =	vand.u32 $0xFFFF8000, v5  }
0x19c: {  	v4 =	vand.u32 $0x7FFF, v4;
	vm0 =	veq.s32 v6, $0x20000;
	v6 =	vand.u32 $0xFFFF8000, v8  }
0x19d: {  	v5 =	vand.u32 $0x7FFF, v5;
	vm1 =	veq.s32 v6, $0x20000;
	v0 =	vld.idx.msk [tilespmem:v0+s22+$0x0], vm3  }
0x19e: {  	v6 =	vand.u32 $0x7FFF, v8;
	v62 =	vand.u32 $0xFFFF8000, v7;
	v9 =	vld.idx.msk [tilespmem:v1+s22+$0x0], vm4  }
0x19f: {  	vm2 =	veq.s32 v62, $0x20000;
	v63 =	vld.idx.msk [tilespmem:v2+s22+$0x0], vm5  }
0x1a0: {  	v7 =	vand.u32 $0x7FFF, v7;
	v10 =	vld.idx.msk [tilespmem:v3+s22+$0x0], vm6  }
0x1a1: {  	v11 =	vld.idx.msk [tilespmem:v4+s22+$0x0], vm7  }
0x1a2: {  	v2 =	vld.idx.msk [tilespmem:v5+s22+$0x0], vm0  }
0x1a3: {  	v1 =	vld.idx.msk [tilespmem:v6+s22+$0x0], vm1;
	v0 =	vnsel vm3, $0x0, v0  }
0x1a4: {  	[tilespmem:s0+$0x4070] =	vst.add.f32.msk $0xffff, v0  }
0x1a5: {  	v0 =	vnsel vm4, $0x0, v9;
	v3 =	vld.idx.msk [tilespmem:v7+s22+$0x0], vm2  }
0x1a6: {  	v5 =	vnsel vm5, $0x0, v63;
	[tilespmem:s0+$0x4000] =	vst.add.f32.msk $0xffff, v0  }
0x1a7: {  	s1 =	simm.s32 $0x0;
	s2 =	simm.s32 $0x200;
	v4 =	vnsel vm6, $0x0, v10;
	[tilespmem:s0+$0x4010] =	vst.add.f32.msk $0xffff, v5;
	v0 =	vnsel vm7, $0x0, v11  }
.LBB2_14:
0x1a8: {  	s31 =	sshra.s32 s2, $0x2;
	s1 =	sadd.s32 $0x80, s1;
	[tilespmem:s0+$0x4020] =	vst.add.f32.msk $0xffff, v4;
	v2 =	vnsel vm0, $0x0, v2  }
0x1a9: {  	v1 =	vnsel vm1, $0x0, v1;
	v4 =	vld [tilespmem:s31+$0x70];
	p0 =	slt.u32 s1, $0x3F80  }
0x1aa: {  	v5 =	vld [tilespmem:s31+$0x0]  }
0x1ab: {  	v3 =	vnsel vm2, $0x0, v3;
	v6 =	vld [tilespmem:s31+$0x10]  }
0x1ac: {  	v7 =	vld [tilespmem:s31+$0x20]  }
0x1ad: {  	v8 =	vld [tilespmem:s31+$0x30]  }
0x1ae: {  	v9 =	vld [tilespmem:s31+$0x40];
	v10 =	vand.u32 $0xFFFF8000, v4  }
0x1af: {  	v11 =	vand.u32 $0xFFFF8000, v5;
	v5 =	vand.u32 $0x7FFF, v5;
	v12 =	vld [tilespmem:s31+$0x50];
	vm4 =	veq.s32 v10, $0x20000  }
0x1b0: {  	v4 =	vand.u32 $0x7FFF, v4;
	vm3 =	veq.s32 v11, $0x20000;
	v10 =	vand.u32 $0xFFFF8000, v6;
	v11 =	vld [tilespmem:s31+$0x60]  }
0x1b1: {  	v6 =	vand.u32 $0x7FFF, v6;
	vm5 =	veq.s32 v10, $0x20000;
	v10 =	vand.u32 $0xFFFF8000, v7;
	[tilespmem:s0+$0x4030] =	vst.add.f32.msk $0xffff, v0  }
0x1b2: {  	v0 =	vand.u32 $0x7FFF, v7;
	vm6 =	veq.s32 v10, $0x20000;
	v7 =	vand.u32 $0xFFFF8000, v8;
	[tilespmem:s0+$0x4040] =	vst.add.f32.msk $0xffff, v2  }
0x1b3: {  	v2 =	vand.u32 $0x7FFF, v8;
	vm7 =	veq.s32 v7, $0x20000;
	v7 =	vand.u32 $0xFFFF8000, v9;
	[tilespmem:s0+$0x4050] =	vst.add.f32.msk $0xffff, v1  }
0x1b4: {  	v1 =	vand.u32 $0x7FFF, v9;
	vm0 =	veq.s32 v7, $0x20000;
	v7 =	vand.u32 $0xFFFF8000, v12;
	[tilespmem:s0+$0x4060] =	vst.add.f32.msk $0xffff, v3;
	s0 =	smov.u32 s31  }
0x1b5: {  	v3 =	vand.u32 $0x7FFF, v12;
	vm1 =	veq.s32 v7, $0x20000;
	v7 =	vand.u32 $0xFFFF8000, v11;
	v4 =	vld.idx.msk [tilespmem:v4+s22+$0x0], vm4  }
0x1b6: {  	v5 =	vld.idx.msk [tilespmem:v5+s22+$0x0], vm3;
	vm2 =	veq.s32 v7, $0x20000;
	v7 =	vand.u32 $0x7FFF, v11  }
0x1b7: {  	v6 =	vld.idx.msk [tilespmem:v6+s22+$0x0], vm5  }
0x1b8: {  	v0 =	vld.idx.msk [tilespmem:v0+s22+$0x0], vm6  }
0x1b9: {  	v8 =	vld.idx.msk [tilespmem:v2+s22+$0x0], vm7  }
0x1ba: {  	v2 =	vld.idx.msk [tilespmem:v1+s22+$0x0], vm0  }
.Ltmp6:
0x1bb: {  	v1 =	vld.idx.msk [tilespmem:v3+s22+$0x0], vm1;
	v3 =	vnsel vm4, $0x0, v4;
	(pc) =	sbr.rel @p0 .LBB2_14-.Ltmp6, $4  }
0x1bc: {  	v4 =	vnsel vm3, $0x0, v5;
	[tilespmem:s0+$0x4070] =	vst.add.f32.msk $0xffff, v3  }
0x1bd: {  	v5 =	vnsel vm5, $0x0, v6;
	v3 =	vld.idx.msk [tilespmem:v7+s22+$0x0], vm2  }
0x1be: {  	[tilespmem:s0+$0x4000] =	vst.add.f32.msk $0xffff, v4;
	v4 =	vnsel vm6, $0x0, v0  }
0x1bf: {  	s2 =	sadd.s32 $0x200, s2;
	v0 =	vnsel vm7, $0x0, v8;
	[tilespmem:s0+$0x4010] =	vst.add.f32.msk $0xffff, v5  }
0x1c0: {  	[tilespmem:s0+$0x4020] =	vst.add.f32.msk $0xffff, v4  }
0x1c1: {  	v2 =	vnsel vm0, $0x0, v2;
	[tilespmem:s0+$0x4030] =	vst.add.f32.msk $0xffff, v0  }
0x1c2: {  	v0 =	vnsel vm1, $0x0, v1;
	[tilespmem:s0+$0x4040] =	vst.add.f32.msk $0xffff, v2  }
0x1c3: {  	[tilespmem:s0+$0x4050] =	vst.add.f32.msk $0xffff, v0;
	v1 =	vnsel vm2, $0x0, v3  }
0x1c4: {  	[tilespmem:s0+$0x4060] =	vst.add.f32.msk $0xffff, v1  }
0x1c5: {  	[tilespmem:s22], [sflag:$0x2] =	stream.strided.gather [hbm4b:s14+s18], $0x8000, s19, s18, $0x38;
	[tilespmem:$0x1D000] =	vst v63  }
0x1c6: {  	_ =	swait.ge [sflag:s26], $0x8000  }
0x1c7: {  	[sflag:s26] =	ssyncset.done $0x0  }
0x1c8: {  	s0 =	simm.s32 $0x0;
	[sflag:s26] =	ssyncadd.s32 $0xFFFF8000  }
0x1c9: {  	v0 =	vld [tilespmem:s0+$0x70]  }
0x1ca: {  	v1 =	vld [tilespmem:s0+$0x0]  }
0x1cb: {  	v2 =	vld [tilespmem:s0+$0x10]  }
0x1cc: {  	v3 =	vld [tilespmem:s0+$0x20]  }
0x1cd: {  	v4 =	vld [tilespmem:s0+$0x30]  }
0x1ce: {  	v5 =	vld [tilespmem:s0+$0x40];
	v6 =	vand.u32 $0xFFFF8000, v0  }
0x1cf: {  	v8 =	vld [tilespmem:s0+$0x50];
	v7 =	vand.u32 $0xFFFF8000, v1;
	vm3 =	veq.s32 v6, $0x28000  }
0x1d0: {  	v0 =	vand.u32 $0x7FFF, v0;
	vm4 =	veq.s32 v7, $0x28000;
	v6 =	vand.u32 $0xFFFF8000, v2  }
0x1d1: {  	v1 =	vand.u32 $0x7FFF, v1;
	v7 =	vld [tilespmem:s0+$0x60];
	vm5 =	veq.s32 v6, $0x28000;
	v6 =	vand.u32 $0xFFFF8000, v3  }
0x1d2: {  	v2 =	vand.u32 $0x7FFF, v2;
	vm6 =	veq.s32 v6, $0x28000;
	v6 =	vand.u32 $0xFFFF8000, v4  }
0x1d3: {  	v3 =	vand.u32 $0x7FFF, v3;
	vm7 =	veq.s32 v6, $0x28000;
	v6 =	vand.u32 $0xFFFF8000, v5  }
0x1d4: {  	v4 =	vand.u32 $0x7FFF, v4;
	vm0 =	veq.s32 v6, $0x28000;
	v6 =	vand.u32 $0xFFFF8000, v8  }
0x1d5: {  	v5 =	vand.u32 $0x7FFF, v5;
	vm1 =	veq.s32 v6, $0x28000;
	v0 =	vld.idx.msk [tilespmem:v0+s23+$0x0], vm3  }
0x1d6: {  	v6 =	vand.u32 $0x7FFF, v8;
	v62 =	vand.u32 $0xFFFF8000, v7;
	v9 =	vld.idx.msk [tilespmem:v1+s23+$0x0], vm4  }
0x1d7: {  	vm2 =	veq.s32 v62, $0x28000;
	v63 =	vld.idx.msk [tilespmem:v2+s23+$0x0], vm5  }
0x1d8: {  	v7 =	vand.u32 $0x7FFF, v7;
	v10 =	vld.idx.msk [tilespmem:v3+s23+$0x0], vm6  }
0x1d9: {  	v11 =	vld.idx.msk [tilespmem:v4+s23+$0x0], vm7  }
0x1da: {  	v2 =	vld.idx.msk [tilespmem:v5+s23+$0x0], vm0  }
0x1db: {  	v1 =	vld.idx.msk [tilespmem:v6+s23+$0x0], vm1;
	v0 =	vnsel vm3, $0x0, v0  }
0x1dc: {  	[tilespmem:s0+$0x4070] =	vst.add.f32.msk $0xffff, v0  }
0x1dd: {  	v0 =	vnsel vm4, $0x0, v9;
	v3 =	vld.idx.msk [tilespmem:v7+s23+$0x0], vm2  }
0x1de: {  	v5 =	vnsel vm5, $0x0, v63;
	[tilespmem:s0+$0x4000] =	vst.add.f32.msk $0xffff, v0  }
0x1df: {  	s1 =	simm.s32 $0x0;
	s2 =	simm.s32 $0x200;
	v4 =	vnsel vm6, $0x0, v10;
	[tilespmem:s0+$0x4010] =	vst.add.f32.msk $0xffff, v5;
	v0 =	vnsel vm7, $0x0, v11  }
.LBB2_16:
0x1e0: {  	s31 =	sshra.s32 s2, $0x2;
	s1 =	sadd.s32 $0x80, s1;
	[tilespmem:s0+$0x4020] =	vst.add.f32.msk $0xffff, v4;
	v2 =	vnsel vm0, $0x0, v2  }
0x1e1: {  	v1 =	vnsel vm1, $0x0, v1;
	v4 =	vld [tilespmem:s31+$0x70];
	p0 =	slt.u32 s1, $0x3F80  }
0x1e2: {  	v5 =	vld [tilespmem:s31+$0x0]  }
0x1e3: {  	v3 =	vnsel vm2, $0x0, v3;
	v6 =	vld [tilespmem:s31+$0x10]  }
0x1e4: {  	v7 =	vld [tilespmem:s31+$0x20]  }
0x1e5: {  	v8 =	vld [tilespmem:s31+$0x30]  }
0x1e6: {  	v9 =	vld [tilespmem:s31+$0x40];
	v10 =	vand.u32 $0xFFFF8000, v4  }
0x1e7: {  	v11 =	vand.u32 $0xFFFF8000, v5;
	v5 =	vand.u32 $0x7FFF, v5;
	v12 =	vld [tilespmem:s31+$0x50];
	vm4 =	veq.s32 v10, $0x28000  }
0x1e8: {  	v4 =	vand.u32 $0x7FFF, v4;
	vm3 =	veq.s32 v11, $0x28000;
	v10 =	vand.u32 $0xFFFF8000, v6;
	v11 =	vld [tilespmem:s31+$0x60]  }
0x1e9: {  	v6 =	vand.u32 $0x7FFF, v6;
	vm5 =	veq.s32 v10, $0x28000;
	v10 =	vand.u32 $0xFFFF8000, v7;
	[tilespmem:s0+$0x4030] =	vst.add.f32.msk $0xffff, v0  }
0x1ea: {  	v0 =	vand.u32 $0x7FFF, v7;
	vm6 =	veq.s32 v10, $0x28000;
	v7 =	vand.u32 $0xFFFF8000, v8;
	[tilespmem:s0+$0x4040] =	vst.add.f32.msk $0xffff, v2  }
0x1eb: {  	v2 =	vand.u32 $0x7FFF, v8;
	vm7 =	veq.s32 v7, $0x28000;
	v7 =	vand.u32 $0xFFFF8000, v9;
	[tilespmem:s0+$0x4050] =	vst.add.f32.msk $0xffff, v1  }
0x1ec: {  	v1 =	vand.u32 $0x7FFF, v9;
	vm0 =	veq.s32 v7, $0x28000;
	v7 =	vand.u32 $0xFFFF8000, v12;
	[tilespmem:s0+$0x4060] =	vst.add.f32.msk $0xffff, v3;
	s0 =	smov.u32 s31  }
0x1ed: {  	v3 =	vand.u32 $0x7FFF, v12;
	vm1 =	veq.s32 v7, $0x28000;
	v7 =	vand.u32 $0xFFFF8000, v11;
	v4 =	vld.idx.msk [tilespmem:v4+s23+$0x0], vm4  }
0x1ee: {  	v5 =	vld.idx.msk [tilespmem:v5+s23+$0x0], vm3;
	vm2 =	veq.s32 v7, $0x28000;
	v7 =	vand.u32 $0x7FFF, v11  }
0x1ef: {  	v6 =	vld.idx.msk [tilespmem:v6+s23+$0x0], vm5  }
0x1f0: {  	v0 =	vld.idx.msk [tilespmem:v0+s23+$0x0], vm6  }
0x1f1: {  	v8 =	vld.idx.msk [tilespmem:v2+s23+$0x0], vm7  }
0x1f2: {  	v2 =	vld.idx.msk [tilespmem:v1+s23+$0x0], vm0  }
.Ltmp7:
0x1f3: {  	v1 =	vld.idx.msk [tilespmem:v3+s23+$0x0], vm1;
	v3 =	vnsel vm4, $0x0, v4;
	(pc) =	sbr.rel @p0 .LBB2_16-.Ltmp7, $4  }
0x1f4: {  	v4 =	vnsel vm3, $0x0, v5;
	[tilespmem:s0+$0x4070] =	vst.add.f32.msk $0xffff, v3  }
0x1f5: {  	v5 =	vnsel vm5, $0x0, v6;
	v3 =	vld.idx.msk [tilespmem:v7+s23+$0x0], vm2  }
0x1f6: {  	[tilespmem:s0+$0x4000] =	vst.add.f32.msk $0xffff, v4;
	v4 =	vnsel vm6, $0x0, v0  }
0x1f7: {  	s2 =	sadd.s32 $0x200, s2;
	v0 =	vnsel vm7, $0x0, v8;
	[tilespmem:s0+$0x4010] =	vst.add.f32.msk $0xffff, v5  }
0x1f8: {  	[tilespmem:s0+$0x4020] =	vst.add.f32.msk $0xffff, v4  }
0x1f9: {  	v2 =	vnsel vm0, $0x0, v2;
	[tilespmem:s0+$0x4030] =	vst.add.f32.msk $0xffff, v0  }
0x1fa: {  	v0 =	vnsel vm1, $0x0, v1;
	[tilespmem:s0+$0x4040] =	vst.add.f32.msk $0xffff, v2  }
0x1fb: {  	[tilespmem:s0+$0x4050] =	vst.add.f32.msk $0xffff, v0;
	v1 =	vnsel vm2, $0x0, v3  }
0x1fc: {  	[tilespmem:s0+$0x4060] =	vst.add.f32.msk $0xffff, v1  }
0x1fd: {  	[tilespmem:s23], [sflag:$0x3] =	stream.strided.gather [hbm4b:s15+s18], $0x8000, s19, s18, $0x38;
	[tilespmem:$0x1D000] =	vst v63  }
0x1fe: {  	_ =	swait.ge [sflag:s25], $0x8000  }
0x1ff: {  	[sflag:s25] =	ssyncset.done $0x0  }
0x200: {  	s0 =	simm.s32 $0x0;
	[sflag:s25] =	ssyncadd.s32 $0xFFFF8000  }
0x201: {  	v0 =	vld [tilespmem:s0+$0x70]  }
0x202: {  	v1 =	vld [tilespmem:s0+$0x0]  }
0x203: {  	v2 =	vld [tilespmem:s0+$0x10]  }
0x204: {  	v3 =	vld [tilespmem:s0+$0x20]  }
0x205: {  	v4 =	vld [tilespmem:s0+$0x30]  }
0x206: {  	v5 =	vld [tilespmem:s0+$0x40];
	v6 =	vand.u32 $0xFFFF8000, v0  }
0x207: {  	v8 =	vld [tilespmem:s0+$0x50];
	v7 =	vand.u32 $0xFFFF8000, v1;
	vm3 =	veq.s32 v6, $0x30000  }
0x208: {  	v0 =	vand.u32 $0x7FFF, v0;
	vm4 =	veq.s32 v7, $0x30000;
	v6 =	vand.u32 $0xFFFF8000, v2  }
0x209: {  	v1 =	vand.u32 $0x7FFF, v1;
	v7 =	vld [tilespmem:s0+$0x60];
	vm5 =	veq.s32 v6, $0x30000;
	v6 =	vand.u32 $0xFFFF8000, v3  }
0x20a: {  	v2 =	vand.u32 $0x7FFF, v2;
	vm6 =	veq.s32 v6, $0x30000;
	v6 =	vand.u32 $0xFFFF8000, v4  }
0x20b: {  	v3 =	vand.u32 $0x7FFF, v3;
	vm7 =	veq.s32 v6, $0x30000;
	v6 =	vand.u32 $0xFFFF8000, v5  }
0x20c: {  	v4 =	vand.u32 $0x7FFF, v4;
	vm0 =	veq.s32 v6, $0x30000;
	v6 =	vand.u32 $0xFFFF8000, v8  }
0x20d: {  	v5 =	vand.u32 $0x7FFF, v5;
	vm1 =	veq.s32 v6, $0x30000;
	v0 =	vld.idx.msk [tilespmem:v0+s22+$0x0], vm3  }
0x20e: {  	v6 =	vand.u32 $0x7FFF, v8;
	v62 =	vand.u32 $0xFFFF8000, v7;
	v9 =	vld.idx.msk [tilespmem:v1+s22+$0x0], vm4  }
0x20f: {  	vm2 =	veq.s32 v62, $0x30000;
	v63 =	vld.idx.msk [tilespmem:v2+s22+$0x0], vm5  }
0x210: {  	v7 =	vand.u32 $0x7FFF, v7;
	v10 =	vld.idx.msk [tilespmem:v3+s22+$0x0], vm6  }
0x211: {  	v11 =	vld.idx.msk [tilespmem:v4+s22+$0x0], vm7  }
0x212: {  	v2 =	vld.idx.msk [tilespmem:v5+s22+$0x0], vm0  }
0x213: {  	v1 =	vld.idx.msk [tilespmem:v6+s22+$0x0], vm1;
	v0 =	vnsel vm3, $0x0, v0  }
0x214: {  	[tilespmem:s0+$0x4070] =	vst.add.f32.msk $0xffff, v0  }
0x215: {  	v0 =	vnsel vm4, $0x0, v9;
	v3 =	vld.idx.msk [tilespmem:v7+s22+$0x0], vm2  }
0x216: {  	v5 =	vnsel vm5, $0x0, v63;
	[tilespmem:s0+$0x4000] =	vst.add.f32.msk $0xffff, v0  }
0x217: {  	s1 =	simm.s32 $0x0;
	s2 =	simm.s32 $0x200;
	v4 =	vnsel vm6, $0x0, v10;
	[tilespmem:s0+$0x4010] =	vst.add.f32.msk $0xffff, v5;
	v0 =	vnsel vm7, $0x0, v11  }
.LBB2_18:
0x218: {  	s31 =	sshra.s32 s2, $0x2;
	s1 =	sadd.s32 $0x80, s1;
	[tilespmem:s0+$0x4020] =	vst.add.f32.msk $0xffff, v4;
	v2 =	vnsel vm0, $0x0, v2  }
0x219: {  	v1 =	vnsel vm1, $0x0, v1;
	v4 =	vld [tilespmem:s31+$0x70];
	p0 =	slt.u32 s1, $0x3F80  }
0x21a: {  	v5 =	vld [tilespmem:s31+$0x0]  }
0x21b: {  	v3 =	vnsel vm2, $0x0, v3;
	v6 =	vld [tilespmem:s31+$0x10]  }
0x21c: {  	v7 =	vld [tilespmem:s31+$0x20]  }
0x21d: {  	v8 =	vld [tilespmem:s31+$0x30]  }
0x21e: {  	v9 =	vld [tilespmem:s31+$0x40];
	v10 =	vand.u32 $0xFFFF8000, v4  }
0x21f: {  	v11 =	vand.u32 $0xFFFF8000, v5;
	v5 =	vand.u32 $0x7FFF, v5;
	v12 =	vld [tilespmem:s31+$0x50];
	vm4 =	veq.s32 v10, $0x30000  }
0x220: {  	v4 =	vand.u32 $0x7FFF, v4;
	vm3 =	veq.s32 v11, $0x30000;
	v10 =	vand.u32 $0xFFFF8000, v6;
	v11 =	vld [tilespmem:s31+$0x60]  }
0x221: {  	v6 =	vand.u32 $0x7FFF, v6;
	vm5 =	veq.s32 v10, $0x30000;
	v10 =	vand.u32 $0xFFFF8000, v7;
	[tilespmem:s0+$0x4030] =	vst.add.f32.msk $0xffff, v0  }
0x222: {  	v0 =	vand.u32 $0x7FFF, v7;
	vm6 =	veq.s32 v10, $0x30000;
	v7 =	vand.u32 $0xFFFF8000, v8;
	[tilespmem:s0+$0x4040] =	vst.add.f32.msk $0xffff, v2  }
0x223: {  	v2 =	vand.u32 $0x7FFF, v8;
	vm7 =	veq.s32 v7, $0x30000;
	v7 =	vand.u32 $0xFFFF8000, v9;
	[tilespmem:s0+$0x4050] =	vst.add.f32.msk $0xffff, v1  }
0x224: {  	v1 =	vand.u32 $0x7FFF, v9;
	vm0 =	veq.s32 v7, $0x30000;
	v7 =	vand.u32 $0xFFFF8000, v12;
	[tilespmem:s0+$0x4060] =	vst.add.f32.msk $0xffff, v3;
	s0 =	smov.u32 s31  }
0x225: {  	v3 =	vand.u32 $0x7FFF, v12;
	vm1 =	veq.s32 v7, $0x30000;
	v7 =	vand.u32 $0xFFFF8000, v11;
	v4 =	vld.idx.msk [tilespmem:v4+s22+$0x0], vm4  }
0x226: {  	v5 =	vld.idx.msk [tilespmem:v5+s22+$0x0], vm3;
	vm2 =	veq.s32 v7, $0x30000;
	v7 =	vand.u32 $0x7FFF, v11  }
0x227: {  	v6 =	vld.idx.msk [tilespmem:v6+s22+$0x0], vm5  }
0x228: {  	v0 =	vld.idx.msk [tilespmem:v0+s22+$0x0], vm6  }
0x229: {  	v8 =	vld.idx.msk [tilespmem:v2+s22+$0x0], vm7  }
0x22a: {  	v2 =	vld.idx.msk [tilespmem:v1+s22+$0x0], vm0  }
.Ltmp8:
0x22b: {  	v1 =	vld.idx.msk [tilespmem:v3+s22+$0x0], vm1;
	v3 =	vnsel vm4, $0x0, v4;
	(pc) =	sbr.rel @p0 .LBB2_18-.Ltmp8, $4  }
0x22c: {  	v4 =	vnsel vm3, $0x0, v5;
	[tilespmem:s0+$0x4070] =	vst.add.f32.msk $0xffff, v3  }
0x22d: {  	v5 =	vnsel vm5, $0x0, v6;
	v3 =	vld.idx.msk [tilespmem:v7+s22+$0x0], vm2  }
0x22e: {  	[tilespmem:s0+$0x4000] =	vst.add.f32.msk $0xffff, v4;
	v4 =	vnsel vm6, $0x0, v0  }
0x22f: {  	s2 =	sadd.s32 $0x200, s2;
	v0 =	vnsel vm7, $0x0, v8;
	[tilespmem:s0+$0x4010] =	vst.add.f32.msk $0xffff, v5  }
0x230: {  	[tilespmem:s0+$0x4020] =	vst.add.f32.msk $0xffff, v4  }
0x231: {  	v2 =	vnsel vm0, $0x0, v2;
	[tilespmem:s0+$0x4030] =	vst.add.f32.msk $0xffff, v0  }
0x232: {  	v0 =	vnsel vm1, $0x0, v1;
	[tilespmem:s0+$0x4040] =	vst.add.f32.msk $0xffff, v2  }
0x233: {  	[tilespmem:s0+$0x4050] =	vst.add.f32.msk $0xffff, v0;
	v1 =	vnsel vm2, $0x0, v3  }
0x234: {  	[tilespmem:s0+$0x4060] =	vst.add.f32.msk $0xffff, v1  }
0x235: {  	_ =	swait.ge [sflag:s26], $0x8000  }
0x236: {  	[sflag:s26] =	ssyncset.done $0x0  }
0x237: {  	s0 =	simm.s32 $0x0;
	[sflag:s26] =	ssyncadd.s32 $0xFFFF8000  }
0x238: {  	v0 =	vld [tilespmem:s0+$0x70]  }
0x239: {  	v1 =	vld [tilespmem:s0+$0x0]  }
0x23a: {  	v2 =	vld [tilespmem:s0+$0x10]  }
0x23b: {  	v3 =	vld [tilespmem:s0+$0x20]  }
0x23c: {  	v4 =	vld [tilespmem:s0+$0x30]  }
0x23d: {  	v5 =	vld [tilespmem:s0+$0x40];
	v6 =	vand.u32 $0xFFFF8000, v0  }
0x23e: {  	v8 =	vld [tilespmem:s0+$0x50];
	v7 =	vand.u32 $0xFFFF8000, v1;
	vm3 =	veq.s32 v6, $0x38000  }
0x23f: {  	v0 =	vand.u32 $0x7FFF, v0;
	vm4 =	veq.s32 v7, $0x38000;
	v6 =	vand.u32 $0xFFFF8000, v2  }
0x240: {  	v1 =	vand.u32 $0x7FFF, v1;
	v7 =	vld [tilespmem:s0+$0x60];
	vm5 =	veq.s32 v6, $0x38000;
	v6 =	vand.u32 $0xFFFF8000, v3  }
0x241: {  	v2 =	vand.u32 $0x7FFF, v2;
	vm6 =	veq.s32 v6, $0x38000;
	v6 =	vand.u32 $0xFFFF8000, v4  }
0x242: {  	v3 =	vand.u32 $0x7FFF, v3;
	vm7 =	veq.s32 v6, $0x38000;
	v6 =	vand.u32 $0xFFFF8000, v5  }
0x243: {  	v4 =	vand.u32 $0x7FFF, v4;
	vm0 =	veq.s32 v6, $0x38000;
	v6 =	vand.u32 $0xFFFF8000, v8  }
0x244: {  	v5 =	vand.u32 $0x7FFF, v5;
	vm1 =	veq.s32 v6, $0x38000;
	v0 =	vld.idx.msk [tilespmem:v0+s23+$0x0], vm3  }
0x245: {  	v6 =	vand.u32 $0x7FFF, v8;
	v62 =	vand.u32 $0xFFFF8000, v7;
	v9 =	vld.idx.msk [tilespmem:v1+s23+$0x0], vm4  }
0x246: {  	vm2 =	veq.s32 v62, $0x38000;
	v63 =	vld.idx.msk [tilespmem:v2+s23+$0x0], vm5  }
0x247: {  	v7 =	vand.u32 $0x7FFF, v7;
	v10 =	vld.idx.msk [tilespmem:v3+s23+$0x0], vm6  }
0x248: {  	v11 =	vld.idx.msk [tilespmem:v4+s23+$0x0], vm7  }
0x249: {  	v2 =	vld.idx.msk [tilespmem:v5+s23+$0x0], vm0  }
0x24a: {  	v1 =	vld.idx.msk [tilespmem:v6+s23+$0x0], vm1;
	v0 =	vnsel vm3, $0x0, v0  }
0x24b: {  	[tilespmem:s0+$0x4070] =	vst.add.f32.msk $0xffff, v0  }
0x24c: {  	v0 =	vnsel vm4, $0x0, v9;
	v3 =	vld.idx.msk [tilespmem:v7+s23+$0x0], vm2  }
0x24d: {  	v5 =	vnsel vm5, $0x0, v63;
	[tilespmem:s0+$0x4000] =	vst.add.f32.msk $0xffff, v0  }
0x24e: {  	s1 =	simm.s32 $0x0;
	s2 =	simm.s32 $0x200;
	v4 =	vnsel vm6, $0x0, v10;
	[tilespmem:s0+$0x4010] =	vst.add.f32.msk $0xffff, v5;
	v0 =	vnsel vm7, $0x0, v11  }
.LBB2_20:
0x24f: {  	s31 =	sshra.s32 s2, $0x2;
	s1 =	sadd.s32 $0x80, s1;
	[tilespmem:s0+$0x4020] =	vst.add.f32.msk $0xffff, v4;
	v2 =	vnsel vm0, $0x0, v2  }
0x250: {  	v1 =	vnsel vm1, $0x0, v1;
	v4 =	vld [tilespmem:s31+$0x70];
	p0 =	slt.u32 s1, $0x3F80  }
0x251: {  	v5 =	vld [tilespmem:s31+$0x0]  }
0x252: {  	v3 =	vnsel vm2, $0x0, v3;
	v6 =	vld [tilespmem:s31+$0x10]  }
0x253: {  	v7 =	vld [tilespmem:s31+$0x20]  }
0x254: {  	v8 =	vld [tilespmem:s31+$0x30]  }
0x255: {  	v9 =	vld [tilespmem:s31+$0x40];
	v10 =	vand.u32 $0xFFFF8000, v4  }
0x256: {  	v11 =	vand.u32 $0xFFFF8000, v5;
	v5 =	vand.u32 $0x7FFF, v5;
	v12 =	vld [tilespmem:s31+$0x50];
	vm4 =	veq.s32 v10, $0x38000  }
0x257: {  	v4 =	vand.u32 $0x7FFF, v4;
	vm3 =	veq.s32 v11, $0x38000;
	v10 =	vand.u32 $0xFFFF8000, v6;
	v11 =	vld [tilespmem:s31+$0x60]  }
0x258: {  	v6 =	vand.u32 $0x7FFF, v6;
	vm5 =	veq.s32 v10, $0x38000;
	v10 =	vand.u32 $0xFFFF8000, v7;
	[tilespmem:s0+$0x4030] =	vst.add.f32.msk $0xffff, v0  }
0x259: {  	v0 =	vand.u32 $0x7FFF, v7;
	vm6 =	veq.s32 v10, $0x38000;
	v7 =	vand.u32 $0xFFFF8000, v8;
	[tilespmem:s0+$0x4040] =	vst.add.f32.msk $0xffff, v2  }
0x25a: {  	v2 =	vand.u32 $0x7FFF, v8;
	vm7 =	veq.s32 v7, $0x38000;
	v7 =	vand.u32 $0xFFFF8000, v9;
	[tilespmem:s0+$0x4050] =	vst.add.f32.msk $0xffff, v1  }
0x25b: {  	v1 =	vand.u32 $0x7FFF, v9;
	vm0 =	veq.s32 v7, $0x38000;
	v7 =	vand.u32 $0xFFFF8000, v12;
	[tilespmem:s0+$0x4060] =	vst.add.f32.msk $0xffff, v3;
	s0 =	smov.u32 s31  }
0x25c: {  	v3 =	vand.u32 $0x7FFF, v12;
	vm1 =	veq.s32 v7, $0x38000;
	v7 =	vand.u32 $0xFFFF8000, v11;
	v4 =	vld.idx.msk [tilespmem:v4+s23+$0x0], vm4  }
0x25d: {  	v5 =	vld.idx.msk [tilespmem:v5+s23+$0x0], vm3;
	vm2 =	veq.s32 v7, $0x38000;
	v7 =	vand.u32 $0x7FFF, v11  }
0x25e: {  	v6 =	vld.idx.msk [tilespmem:v6+s23+$0x0], vm5  }
0x25f: {  	v0 =	vld.idx.msk [tilespmem:v0+s23+$0x0], vm6  }
0x260: {  	v8 =	vld.idx.msk [tilespmem:v2+s23+$0x0], vm7  }
0x261: {  	v2 =	vld.idx.msk [tilespmem:v1+s23+$0x0], vm0  }
.Ltmp9:
0x262: {  	v1 =	vld.idx.msk [tilespmem:v3+s23+$0x0], vm1;
	v3 =	vnsel vm4, $0x0, v4;
	(pc) =	sbr.rel @p0 .LBB2_20-.Ltmp9, $4  }
0x263: {  	v4 =	vnsel vm3, $0x0, v5;
	[tilespmem:s0+$0x4070] =	vst.add.f32.msk $0xffff, v3  }
0x264: {  	v5 =	vnsel vm5, $0x0, v6;
	v3 =	vld.idx.msk [tilespmem:v7+s23+$0x0], vm2  }
0x265: {  	[tilespmem:s0+$0x4000] =	vst.add.f32.msk $0xffff, v4;
	v4 =	vnsel vm6, $0x0, v0  }
0x266: {  	s2 =	sadd.s32 $0x200, s2;
	v0 =	vnsel vm7, $0x0, v8;
	[tilespmem:s0+$0x4010] =	vst.add.f32.msk $0xffff, v5  }
0x267: {  	[tilespmem:s0+$0x4020] =	vst.add.f32.msk $0xffff, v4  }
0x268: {  	v2 =	vnsel vm0, $0x0, v2;
	[tilespmem:s0+$0x4030] =	vst.add.f32.msk $0xffff, v0  }
0x269: {  	v62 =	vnsel vm1, $0x0, v1;
	s30 =	sadd.s32 $0x1, s30;
	[tilespmem:s0+$0x4040] =	vst.add.f32.msk $0xffff, v2  }
0x26a: {  	[tilespmem:s0+$0x4050] =	vst.add.f32.msk $0xffff, v62;
	p0 =	sne.s32 s30, s17;
	v63 =	vnsel vm2, $0x0, v3  }
.Ltmp10:
0x26b: {  	[tilespmem:s0+$0x4060] =	vst.add.f32.msk $0xffff, v63;
	(pc) =	sbr.rel @p0 .LBB2_1-.Ltmp10, $4  }
0x26c: {  	[hbm4b:s16+s18] =	stream.strided.scatter [tilespmem:s28], [sflag:$0x4], $0x4000, s19, s18, $0x38;
	[tilespmem:$0x1D000] =	vst v63  }
0x26d: {  	_ =	swait.ge [sflag:s29], $0x4000  }
0x26e: {  	[sflag:s29] =	ssyncset.done $0x0  }
0x26f: {  	[sflag:s29] =	ssyncadd.s32 $0xFFFFC000  }
0x270: {  	_ =	sfence.sel $0x180000  }
0x271: {  	[bflag:$0x0] =	sbarrier.arrive $0xFFFF  }
0x272: {  	_ =	strace $0x90000047  }
0x273: {  	s0 =	stileid.u32;
	[bflag:$0x2] =	sbarrier.arrive $0xFFFF  }
0x274: {  	p0 =	sne.s32 s0, $0x0;
	s0 =	rddreg [dreg:$0x6]  }
0x275: {  	s0 =	sadd.s32 @!p0 $0x100000, s0  }
0x276: {  	[sflag:s0] =	ssyncadd.tile.s32 @!p0 $0x1;
	_ =	shalt  }
.Lfunc_end2:
_tile_overlayer_lowered:
.L_overlay_start_2:
0x277: {  	(tag) =	ssettag $0x2  }
0x278: {  	s0 =	rddreg [dreg:$0x0];
	s2 =	stileid.u32  }
0x279: {  	s1 =	rddreg [dreg:$0x1];
	p0 =	sne.s32 s2, $0x0  }
0x27a: {  	s3 =	rddreg [dreg:$0x2];
	[bflag:$0x3] =	sbarrier.arrive $0xFFFF;
	s2 =	simm.s32 @!p0 $0x1C04  }
0x27b: {  	[timem:s3], [sflag:s2] =	dma.local @!p0 [hbm:s0], s1  }
0x27c: {  	s0 =	simm.s32 @!p0 $0x4  }
0x27d: {  	_ =	swait.ge @!p0 [sflag:s0], s1  }
0x27e: {  	s1 =	ssub.s32 @!p0 $0x0, s1;
	[sflag:s0] =	ssyncset.done @!p0 $0x0  }
0x27f: {  	[sflag:s0] =	ssyncadd.s32 @!p0 s1  }
0x280: {  	[bflag:$0x3] =	sbarrier.arrive $0xFFFF  }
0x281: {  	_ =	shalt  }

</sc_bundles>
